<compile_context>
chip_gen: v7x
topology: tpu7x:2x2x1
jax: 0.10.2.dev20260603
libtpu: 0.0.44.dev20260713+nightly
codegen_flags: <defaults>
</compile_context>

<pallas_src>
import functools

import jax
import jax.numpy as jnp
from jax import lax
from jax.experimental import pallas as pl
from jax.experimental.pallas import tpu as pltpu
from jax.experimental.pallas import tpu_sc as plsc

B, S, D_MODEL, D_FF, E = 1, 2048, 1024, 4096, 8
TB = 128
NBP = S // TB + (E - 1)
NROWS = NBP * TB
FFT = 1024
NFF = D_FF // FFT
NMETA = 32


def _plan_body(x_ref, wr_ref, br_ref, dest_ref, meta_ref, ri_ref):
    logits = jnp.dot(x_ref[...], wr_ref[...],
                     preferred_element_type=jnp.float32) + br_ref[...]
    m = jnp.max(logits, axis=1, keepdims=True)
    e_iota = lax.broadcasted_iota(jnp.int32, (S, E), 1)
    idx = jnp.min(jnp.where(logits >= m, e_iota, E), axis=1, keepdims=True)
    oh = (e_iota == idx).astype(jnp.float32)

    counts = jnp.sum(oh, axis=0, keepdims=True).astype(jnp.int32)
    cpad = ((counts + TB - 1) // TB) * TB
    er = lax.broadcasted_iota(jnp.int32, (E, E), 0)
    ec = lax.broadcasted_iota(jnp.int32, (E, E), 1)
    offs = jnp.dot(cpad.astype(jnp.float32), (er < ec).astype(jnp.float32),
                   preferred_element_type=jnp.float32).astype(jnp.int32)

    C = 512
    G = S // C
    oh3 = oh.reshape(G, C, E)
    csum = jnp.sum(oh3, axis=1)
    gr = lax.broadcasted_iota(jnp.int32, (G, G), 0)
    gc = lax.broadcasted_iota(jnp.int32, (G, G), 1)
    base = jnp.dot((gr > gc).astype(jnp.float32), csum,
                   preferred_element_type=jnp.float32)
    rr = lax.broadcasted_iota(jnp.int32, (C, C), 0)
    rc = lax.broadcasted_iota(jnp.int32, (C, C), 1)
    ltri = (rr > rc).astype(jnp.float32)
    ranks = [jnp.dot(ltri, oh3[g], preferred_element_type=jnp.float32)
             + base[g][None, :] for g in range(G)]
    rank_full = jnp.concatenate(ranks, axis=0)
    rank = jnp.sum(rank_full * oh, axis=1, keepdims=True)

    dest_off = jnp.sum(offs.astype(jnp.float32) * oh, axis=1, keepdims=True)
    dest_ref[...] = (dest_off + rank).astype(jnp.int32)

    nblk = jnp.sum(cpad, axis=1, keepdims=True) // TB
    blk_start = offs // TB
    b_iota = lax.broadcasted_iota(jnp.int32, (NMETA, 1), 0)
    b_cl = jnp.minimum(b_iota, nblk - 1)
    blk_e = jnp.sum((b_cl >= blk_start).astype(jnp.int32),
                    axis=1, keepdims=True) - 1
    valid = (b_iota < nblk).astype(jnp.int32)

    present = (counts > 0).astype(jnp.float32)
    pprefix = jnp.dot(present, (er < ec).astype(jnp.float32),
                      preferred_element_type=jnp.float32)
    oh_blk = (blk_e == lax.broadcasted_iota(jnp.int32, (NMETA, E), 1)
              ).astype(jnp.float32)
    run_of = jnp.sum(oh_blk * pprefix, axis=1, keepdims=True).astype(jnp.int32)
    bstart_of = jnp.sum(oh_blk * blk_start.astype(jnp.float32),
                        axis=1, keepdims=True).astype(jnp.int32)
    first = ((b_cl == bstart_of) & (valid > 0)).astype(jnp.int32)
    pad = jnp.zeros((NMETA, E - 5), jnp.int32)
    meta_ref[...] = jnp.concatenate(
        [blk_e, b_cl, valid, first, run_of, pad], axis=1)

    pp_i = pprefix.astype(jnp.int32)
    riota = lax.broadcasted_iota(jnp.int32, (E, E), 0)
    eiota8 = lax.broadcasted_iota(jnp.int32, (E, E), 1)
    cmp = ((pp_i == riota) & (counts > 0)).astype(jnp.int32)
    re_col = jnp.sum(cmp * eiota8, axis=1, keepdims=True)
    nruns = jnp.sum(present, axis=1, keepdims=True).astype(jnp.int32)
    ri_ref[...] = jnp.concatenate(
        [re_col, nruns, jnp.zeros((16 - E - 1, 1), jnp.int32)], axis=0)


def _plan(xf, Wr, br2):
    return pl.pallas_call(
        _plan_body,
        out_shape=(jax.ShapeDtypeStruct((S, 1), jnp.int32),
                   jax.ShapeDtypeStruct((NMETA, E), jnp.int32),
                   jax.ShapeDtypeStruct((16, 1), jnp.int32)),
    )(xf, Wr, br2)


def _sc_mesh():
    return plsc.VectorSubcoreMesh(core_axis_name="c", subcore_axis_name="s")


def _dispatch(xf, dest):
    info = plsc.get_sparse_core_info()
    nw = info.num_cores * info.num_subcores
    rows_w = S // nw

    @functools.partial(
        pl.kernel, mesh=_sc_mesh(),
        out_type=jax.ShapeDtypeStruct((NROWS, D_MODEL), jnp.float32),
        scratch_types=[pltpu.VMEM((rows_w,), jnp.int32),
                       pltpu.VMEM((rows_w, D_MODEL), jnp.float32),
                       pltpu.SemaphoreType.DMA],
    )
    def k(x_hbm, d_hbm, out_hbm, idx_v, rows_v, sem):
        wid = lax.axis_index("s") * info.num_cores + lax.axis_index("c")
        base = wid * rows_w
        pltpu.sync_copy(d_hbm.at[pl.ds(base, rows_w)], idx_v)
        pltpu.sync_copy(x_hbm.at[pl.ds(base, rows_w)], rows_v)
        pltpu.async_copy(rows_v, out_hbm.at[idx_v], sem).wait()

    return k(xf, dest)


def _combine(sorted_out, dest):
    info = plsc.get_sparse_core_info()
    nw = info.num_cores * info.num_subcores
    rows_w = S // nw

    @functools.partial(
        pl.kernel, mesh=_sc_mesh(),
        out_type=jax.ShapeDtypeStruct((S, D_MODEL), jnp.float32),
        scratch_types=[pltpu.VMEM((rows_w,), jnp.int32),
                       pltpu.VMEM((rows_w, D_MODEL), jnp.float32),
                       pltpu.SemaphoreType.DMA],
    )
    def k(s_hbm, d_hbm, out_hbm, idx_v, rows_v, sem):
        wid = lax.axis_index("s") * info.num_cores + lax.axis_index("c")
        base = wid * rows_w
        pltpu.sync_copy(d_hbm.at[pl.ds(base, rows_w)], idx_v)
        pltpu.async_copy(s_hbm.at[idx_v], rows_v, sem).wait()
        pltpu.sync_copy(rows_v, out_hbm.at[pl.ds(base, rows_w)])

    return k(sorted_out, dest)


NBUF = 4


def _ffn_body(meta_ref, ri_ref, xs_ref, w1_hbm, b1_ref, w2_hbm, b2_ref,
              out_ref, acc_ref, w1_buf, w2_buf, sems):
    j = pl.program_id(0)
    b = pl.program_id(1)
    nr = ri_ref[E]
    r = meta_ref[b, 4]
    k = j * nr + r
    nseg = NFF * nr

    def seg_copies(kseg, slot):
        jt = kseg // nr
        et = ri_ref[kseg - jt * nr]
        c1 = pltpu.make_async_copy(
            w1_hbm.at[et, :, pl.ds(jt * FFT, FFT)], w1_buf.at[slot],
            sems.at[slot])
        c2 = pltpu.make_async_copy(
            w2_hbm.at[et, pl.ds(jt * FFT, FFT), :], w2_buf.at[slot],
            sems.at[slot])
        return c1, c2

    def issue(kseg):
        c1, c2 = seg_copies(kseg, lax.rem(kseg, NBUF))
        c1.start()
        c2.start()

    is_first = meta_ref[b, 3] > 0

    @pl.when(is_first & (k == 0))
    def _():
        issue(0)
        for d in range(1, NBUF):
            @pl.when(nseg > d)
            def _(d=d):
                issue(d)

    @pl.when(is_first)
    def _():
        c1, c2 = seg_copies(k, lax.rem(k, NBUF))
        c1.wait()
        c2.wait()

        @pl.when((k > 0) & (k + NBUF - 1 < nseg))
        def _():
            issue(k + NBUF - 1)

    @pl.when(meta_ref[b, 2] > 0)
    def _():
        slot = lax.rem(k, NBUF)
        row = meta_ref[b, 1] * TB
        h = jnp.maximum(
            jnp.dot(xs_ref[pl.ds(row, TB), :], w1_buf[slot],
                    preferred_element_type=jnp.float32) + b1_ref[0, 0], 0.0)
        p = jnp.dot(h, w2_buf[slot], preferred_element_type=jnp.float32)

        @pl.when(j == 0)
        def _():
            acc_ref[pl.ds(row, TB), :] = p

        @pl.when(j > 0)
        def _():
            acc_ref[pl.ds(row, TB), :] += p

        @pl.when(j == NFF - 1)
        def _():
            out_ref[...] = acc_ref[pl.ds(row, TB), :] + b2_ref[0]


def _ffn(xs, W1, b1, W2, b2, meta, runinfo):
    grid_spec = pltpu.PrefetchScalarGridSpec(
        num_scalar_prefetch=2,
        grid=(NFF, NBP),
        in_specs=[
            pl.BlockSpec((NROWS, D_MODEL),
                         lambda j, b, meta, ri: (0, 0)),
            pl.BlockSpec(memory_space=pl.ANY),
            pl.BlockSpec((1, 1, 1, FFT),
                         lambda j, b, meta, ri: (meta[b, 0], j, 0, 0)),
            pl.BlockSpec(memory_space=pl.ANY),
            pl.BlockSpec((1, 1, D_MODEL),
                         lambda j, b, meta, ri: (meta[b, 0], 0, 0)),
        ],
        out_specs=pl.BlockSpec(
            (TB, D_MODEL),
            lambda j, b, meta, ri: (jnp.where(j == NFF - 1, meta[b, 1], 0),
                                    0)),
        scratch_shapes=[
            pltpu.VMEM((NROWS, D_MODEL), jnp.float32),
            pltpu.VMEM((NBUF, D_MODEL, FFT), jnp.float32),
            pltpu.VMEM((NBUF, FFT, D_MODEL), jnp.float32),
            pltpu.SemaphoreType.DMA((NBUF,)),
        ],
    )
    return pl.pallas_call(
        _ffn_body,
        grid_spec=grid_spec,
        out_shape=jax.ShapeDtypeStruct((NROWS, D_MODEL), jnp.float32),
        compiler_params=pltpu.CompilerParams(
            dimension_semantics=("arbitrary", "arbitrary"),
            vmem_limit_bytes=63_000_000),
    )(meta, runinfo, xs, W1,
      b1.reshape(E, NFF, 1, FFT), W2, b2.reshape(E, 1, D_MODEL))


def kernel(x, W1, b1, W2, b2, Wr, br):
    xf = x.reshape(S, D_MODEL)
    dest2d, meta, runinfo = _plan(xf, Wr, br.reshape(1, E))
    dest = dest2d.reshape(S)
    xs = _dispatch(xf, dest)
    outs = _ffn(xs, W1, b1, W2, b2, meta, runinfo.reshape(16))
    out = _combine(outs, dest)
    return out.reshape(B, S, D_MODEL)

# --- scband reference (transcript-rebuilt; emitter-appended) ---
"""Pipeline reference for scband-simple-mo-e-91010357002866 (READ-ONLY COPY).

The authoritative reference and input builder live on the scoring server;
editing this copy changes nothing except your own understanding.
"""

import jax, jax.numpy as jnp
import numpy as np

B, S, D_MODEL, D_FF, E = 1, 2048, 1024, 4096, 8


def setup_inputs(seed: int = 0) -> dict:
    key = jax.random.key(seed)
    ks = jax.random.split(key, 7)
    x = jax.random.normal(ks[0], (B, S, D_MODEL), dtype=jnp.float32)
    s1 = 1.0 / np.sqrt(D_MODEL)
    s2 = 1.0 / np.sqrt(D_FF)
    W1 = jax.random.uniform(ks[1], (E, D_MODEL, D_FF), jnp.float32, -s1, s1)
    b1 = jax.random.uniform(ks[2], (E, D_FF), jnp.float32, -s1, s1)
    W2 = jax.random.uniform(ks[3], (E, D_FF, D_MODEL), jnp.float32, -s2, s2)
    b2 = jax.random.uniform(ks[4], (E, D_MODEL), jnp.float32, -s2, s2)
    Wr = jax.random.uniform(ks[5], (D_MODEL, E), jnp.float32, -s1, s1)
    br = jax.random.uniform(ks[6], (E,), jnp.float32, -s1, s1)
    return {"x": x, "W1": W1, "b1": b1, "W2": W2, "b2": b2, "Wr": Wr, "br": br}


def reference(x, W1, b1, W2, b2, Wr, br):
    b, s, d = x.shape
    xf = x.reshape(-1, d)
    # router: linear + argmax (top-1 routing, matches torch argmax)
    router_logits = xf @ Wr + br
    idx = jnp.argmax(router_logits, axis=-1)

    # dense dispatch: each token's output row is the same independent dot
    # product as in the segmented per-expert matmul, so applying every expert
    # to all tokens and gathering by the routing index reproduces the
    # sort/concat/scatter result exactly.
    def expert_fwd(w1_e, b1_e, w2_e, b2_e):
        h = jnp.maximum(xf @ w1_e + b1_e, 0.0)
        return h @ w2_e + b2_e

    all_out = jax.vmap(expert_fwd)(W1, b1, W2, b2)
    out = all_out[idx, jnp.arange(b * s)]
    return out.reshape(b, s, d)

if __name__ == "__main__":
    import jax
    _d = setup_inputs()
    print(jax.jit(kernel)(*tuple(_d.values())))

</pallas_src>

<mosaic_0001>
#map = affine_map<(d0, d1) -> (0, 0)>
#map1 = affine_map<(d0, d1) -> (0)>
module attributes {stable_mosaic.version = 14 : i64} {
  func.func @k(%arg0: i32, %arg1: i32, %arg2: memref<2944x1024xf32, #tpu.memory_space<hbm>>, %arg3: memref<2048xi32, #tpu.memory_space<hbm>>, %arg4: memref<2048x1024xf32, #tpu.memory_space<hbm>>, %arg5: memref<64xi32, #tpu.memory_space<vmem>>, %arg6: memref<64x1024xf32, #tpu.memory_space<vmem>>, %arg7: memref<!tpu.dma_semaphore, #tpu.memory_space<semaphore_mem>>) attributes {dimension_semantics = [#tpu.dimension_semantics<core_parallel>, #tpu.dimension_semantics<subcore_parallel>], iteration_bounds = array<i64: 2, 16>, scalar_prefetch = 0 : i64, scratch_operands = 3 : i64, tpu.core_type = #tpu.core_type<sc_vector_subcore>, window_params = [{transform_indices = #map}, {transform_indices = #map1}, {transform_indices = #map}]} {
    %mul3A = arith.constant 2 : i32
    %mul3A_0 = arith.muli %arg1, %mul3A : i32
    %add3A = arith.addi %mul3A_0, %arg0 : i32
    %mul3A_1 = arith.constant 64 : i32
    %mul3A_2 = arith.muli %add3A, %mul3A_1 : i32
    "tpu.region"() ({
      %run_scoped3A = tpu.sem_alloc : memref<!tpu.dma_semaphore, #tpu.memory_space<semaphore_mem>>
      %dma_start3A_7 = tpu.memref_slice %arg3[%mul3A_2] : memref<2048xi32, #tpu.memory_space<hbm>> -> memref<64xi32, #tpu.memory_space<hbm>>
      %dma_start3A_8 = tpu.memref_slice %arg3[%mul3A_2] : memref<2048xi32, #tpu.memory_space<hbm>> -> memref<64xi32, #tpu.memory_space<hbm>>
      tpu.enqueue_dma source(%dma_start3A_8 : memref<64xi32, #tpu.memory_space<hbm>>) target(%arg5 : memref<64xi32, #tpu.memory_space<vmem>>) target_semaphore(%run_scoped3A : memref<!tpu.dma_semaphore, #tpu.memory_space<semaphore_mem>>)
      %dma_wait3A_9 = tpu.memref_slice %arg3[%mul3A_2] : memref<2048xi32, #tpu.memory_space<hbm>> -> memref<64xi32, #tpu.memory_space<hbm>>
      %dma_wait3A_10 = tpu.memref_slice %arg3[%mul3A_2] : memref<2048xi32, #tpu.memory_space<hbm>> -> memref<64xi32, #tpu.memory_space<hbm>>
      tpu.wait_dma2 semaphore(%run_scoped3A : memref<!tpu.dma_semaphore, #tpu.memory_space<semaphore_mem>>) src(%dma_wait3A_10 : memref<64xi32, #tpu.memory_space<hbm>>) dst(%arg5 : memref<64xi32, #tpu.memory_space<vmem>>)
      tpu.yield
    }) : () -> ()
    %dma_start3A = arith.constant 0 : i32
    %dma_start3A_3 = arith.constant 0 : i32
    %dma_start3A_4 = tpu.memref_slice %arg2[%dma_start3A, %dma_start3A_3] : memref<2944x1024xf32, #tpu.memory_space<hbm>> -> memref<2944x1024xf32, #tpu.memory_space<hbm>>
    tpu.enqueue_indirect_dma source(%dma_start3A_4 : memref<2944x1024xf32, #tpu.memory_space<hbm>>) target(%arg6 : memref<64x1024xf32, #tpu.memory_space<vmem>>) offsets(%arg5 : memref<64xi32, #tpu.memory_space<vmem>>) semaphore(%arg7 : memref<!tpu.dma_semaphore, #tpu.memory_space<semaphore_mem>>)
    %dma_wait3A = arith.constant 0 : i32
    %dma_wait3A_5 = arith.constant 0 : i32
    %dma_wait3A_6 = tpu.memref_slice %arg2[%dma_wait3A, %dma_wait3A_5] : memref<2944x1024xf32, #tpu.memory_space<hbm>> -> memref<2944x1024xf32, #tpu.memory_space<hbm>>
    tpu.wait_indirect_dma semaphore(%arg7 : memref<!tpu.dma_semaphore, #tpu.memory_space<semaphore_mem>>) src(%dma_wait3A_6 : memref<2944x1024xf32, #tpu.memory_space<hbm>>) dst(%arg6 : memref<64x1024xf32, #tpu.memory_space<vmem>>)
    "tpu.region"() ({
      %run_scoped3A = tpu.sem_alloc : memref<!tpu.dma_semaphore, #tpu.memory_space<semaphore_mem>>
      %dma_start3A_7 = arith.constant 0 : i32
      %dma_start3A_8 = tpu.memref_slice %arg4[%mul3A_2, %dma_start3A_7] : memref<2048x1024xf32, #tpu.memory_space<hbm>> -> memref<64x1024xf32, #tpu.memory_space<hbm>>
      %dma_start3A_9 = arith.constant 0 : i32
      %dma_start3A_10 = tpu.memref_slice %arg4[%mul3A_2, %dma_start3A_9] : memref<2048x1024xf32, #tpu.memory_space<hbm>> -> memref<64x1024xf32, #tpu.memory_space<hbm>>
      tpu.enqueue_dma source(%arg6 : memref<64x1024xf32, #tpu.memory_space<vmem>>) target(%dma_start3A_10 : memref<64x1024xf32, #tpu.memory_space<hbm>>) target_semaphore(%run_scoped3A : memref<!tpu.dma_semaphore, #tpu.memory_space<semaphore_mem>>)
      %dma_wait3A_11 = arith.constant 0 : i32
      %dma_wait3A_12 = tpu.memref_slice %arg4[%mul3A_2, %dma_wait3A_11] : memref<2048x1024xf32, #tpu.memory_space<hbm>> -> memref<64x1024xf32, #tpu.memory_space<hbm>>
      %dma_wait3A_13 = arith.constant 0 : i32
      %dma_wait3A_14 = tpu.memref_slice %arg4[%mul3A_2, %dma_wait3A_13] : memref<2048x1024xf32, #tpu.memory_space<hbm>> -> memref<64x1024xf32, #tpu.memory_space<hbm>>
      tpu.wait_dma2 semaphore(%run_scoped3A : memref<!tpu.dma_semaphore, #tpu.memory_space<semaphore_mem>>) src(%arg6 : memref<64x1024xf32, #tpu.memory_space<vmem>>) dst(%dma_wait3A_14 : memref<64x1024xf32, #tpu.memory_space<hbm>>)
      tpu.yield
    }) : () -> ()
    return
  }
}

#map = affine_map<(d0, d1) -> (0, 0)>
#map1 = affine_map<(d0, d1) -> (0)>
module attributes {stable_mosaic.version = 14 : i64} {
  func.func @k(%arg0: i32, %arg1: i32, %arg2: memref<2048x1024xf32, #tpu.memory_space<hbm>>, %arg3: memref<2048xi32, #tpu.memory_space<hbm>>, %arg4: memref<2944x1024xf32, #tpu.memory_space<hbm>>, %arg5: memref<64xi32, #tpu.memory_space<vmem>>, %arg6: memref<64x1024xf32, #tpu.memory_space<vmem>>, %arg7: memref<!tpu.dma_semaphore, #tpu.memory_space<semaphore_mem>>) attributes {dimension_semantics = [#tpu.dimension_semantics<core_parallel>, #tpu.dimension_semantics<subcore_parallel>], iteration_bounds = array<i64: 2, 16>, scalar_prefetch = 0 : i64, scratch_operands = 3 : i64, tpu.core_type = #tpu.core_type<sc_vector_subcore>, window_params = [{transform_indices = #map}, {transform_indices = #map1}, {transform_indices = #map}]} {
    %mul3A = arith.constant 2 : i32
    %mul3A_0 = arith.muli %arg1, %mul3A : i32
    %add3A = arith.addi %mul3A_0, %arg0 : i32
    %mul3A_1 = arith.constant 64 : i32
    %mul3A_2 = arith.muli %add3A, %mul3A_1 : i32
    "tpu.region"() ({
      %run_scoped3A = tpu.sem_alloc : memref<!tpu.dma_semaphore, #tpu.memory_space<semaphore_mem>>
      %dma_start3A_7 = tpu.memref_slice %arg3[%mul3A_2] : memref<2048xi32, #tpu.memory_space<hbm>> -> memref<64xi32, #tpu.memory_space<hbm>>
      %dma_start3A_8 = tpu.memref_slice %arg3[%mul3A_2] : memref<2048xi32, #tpu.memory_space<hbm>> -> memref<64xi32, #tpu.memory_space<hbm>>
      tpu.enqueue_dma source(%dma_start3A_8 : memref<64xi32, #tpu.memory_space<hbm>>) target(%arg5 : memref<64xi32, #tpu.memory_space<vmem>>) target_semaphore(%run_scoped3A : memref<!tpu.dma_semaphore, #tpu.memory_space<semaphore_mem>>)
      %dma_wait3A_9 = tpu.memref_slice %arg3[%mul3A_2] : memref<2048xi32, #tpu.memory_space<hbm>> -> memref<64xi32, #tpu.memory_space<hbm>>
      %dma_wait3A_10 = tpu.memref_slice %arg3[%mul3A_2] : memref<2048xi32, #tpu.memory_space<hbm>> -> memref<64xi32, #tpu.memory_space<hbm>>
      tpu.wait_dma2 semaphore(%run_scoped3A : memref<!tpu.dma_semaphore, #tpu.memory_space<semaphore_mem>>) src(%dma_wait3A_10 : memref<64xi32, #tpu.memory_space<hbm>>) dst(%arg5 : memref<64xi32, #tpu.memory_space<vmem>>)
      tpu.yield
    }) : () -> ()
    "tpu.region"() ({
      %run_scoped3A = tpu.sem_alloc : memref<!tpu.dma_semaphore, #tpu.memory_space<semaphore_mem>>
      %dma_start3A_7 = arith.constant 0 : i32
      %dma_start3A_8 = tpu.memref_slice %arg2[%mul3A_2, %dma_start3A_7] : memref<2048x1024xf32, #tpu.memory_space<hbm>> -> memref<64x1024xf32, #tpu.memory_space<hbm>>
      %dma_start3A_9 = arith.constant 0 : i32
      %dma_start3A_10 = tpu.memref_slice %arg2[%mul3A_2, %dma_start3A_9] : memref<2048x1024xf32, #tpu.memory_space<hbm>> -> memref<64x1024xf32, #tpu.memory_space<hbm>>
      tpu.enqueue_dma source(%dma_start3A_10 : memref<64x1024xf32, #tpu.memory_space<hbm>>) target(%arg6 : memref<64x1024xf32, #tpu.memory_space<vmem>>) target_semaphore(%run_scoped3A : memref<!tpu.dma_semaphore, #tpu.memory_space<semaphore_mem>>)
      %dma_wait3A_11 = arith.constant 0 : i32
      %dma_wait3A_12 = tpu.memref_slice %arg2[%mul3A_2, %dma_wait3A_11] : memref<2048x1024xf32, #tpu.memory_space<hbm>> -> memref<64x1024xf32, #tpu.memory_space<hbm>>
      %dma_wait3A_13 = arith.constant 0 : i32
      %dma_wait3A_14 = tpu.memref_slice %arg2[%mul3A_2, %dma_wait3A_13] : memref<2048x1024xf32, #tpu.memory_space<hbm>> -> memref<64x1024xf32, #tpu.memory_space<hbm>>
      tpu.wait_dma2 semaphore(%run_scoped3A : memref<!tpu.dma_semaphore, #tpu.memory_space<semaphore_mem>>) src(%dma_wait3A_14 : memref<64x1024xf32, #tpu.memory_space<hbm>>) dst(%arg6 : memref<64x1024xf32, #tpu.memory_space<vmem>>)
      tpu.yield
    }) : () -> ()
    %dma_start3A = arith.constant 0 : i32
    %dma_start3A_3 = arith.constant 0 : i32
    %dma_start3A_4 = tpu.memref_slice %arg4[%dma_start3A, %dma_start3A_3] : memref<2944x1024xf32, #tpu.memory_space<hbm>> -> memref<2944x1024xf32, #tpu.memory_space<hbm>>
    tpu.enqueue_indirect_dma source(%arg6 : memref<64x1024xf32, #tpu.memory_space<vmem>>) target(%dma_start3A_4 : memref<2944x1024xf32, #tpu.memory_space<hbm>>) offsets(%arg5 : memref<64xi32, #tpu.memory_space<vmem>>) semaphore(%arg7 : memref<!tpu.dma_semaphore, #tpu.memory_space<semaphore_mem>>)
    %dma_wait3A = arith.constant 0 : i32
    %dma_wait3A_5 = arith.constant 0 : i32
    %dma_wait3A_6 = tpu.memref_slice %arg4[%dma_wait3A, %dma_wait3A_5] : memref<2944x1024xf32, #tpu.memory_space<hbm>> -> memref<2944x1024xf32, #tpu.memory_space<hbm>>
    tpu.wait_indirect_dma semaphore(%arg7 : memref<!tpu.dma_semaphore, #tpu.memory_space<semaphore_mem>>) src(%arg6 : memref<64x1024xf32, #tpu.memory_space<vmem>>) dst(%dma_wait3A_6 : memref<2944x1024xf32, #tpu.memory_space<hbm>>)
    return
  }
}

module attributes {stable_mosaic.version = 14 : i64} {
  func.func @_plan_body(%arg0: memref<2048x1024xf32, #tpu.memory_space<vmem>>, %arg1: memref<1024x8xf32, #tpu.memory_space<vmem>>, %arg2: memref<1x8xf32, #tpu.memory_space<vmem>>, %arg3: memref<2048x1xi32, #tpu.memory_space<vmem>>, %arg4: memref<32x8xi32, #tpu.memory_space<vmem>>, %arg5: memref<16x1xi32, #tpu.memory_space<vmem>>) attributes {dimension_semantics = [], scalar_prefetch = 0 : i64, scratch_operands = 0 : i64, tpu.core_type = #tpu.core_type<tc>} {
    %get3A = arith.constant 0 : index
    %get3A_0 = arith.constant 0 : index
    %get3A_1 = vector.load %arg0[%get3A, %get3A_0] : memref<2048x1024xf32, #tpu.memory_space<vmem>>, vector<2048x1024xf32>
    %get3A_2 = arith.constant 0 : index
    %get3A_3 = arith.constant 0 : index
    %get3A_4 = vector.load %arg1[%get3A_2, %get3A_3] : memref<1024x8xf32, #tpu.memory_space<vmem>>, vector<1024x8xf32>
    %dot_general3A = arith.constant dense<0.000000e+00> : vector<2048x8xf32>
    %dot_general3A_5 = tpu.matmul %get3A_1, %get3A_4, %dot_general3A {dimension_numbers = #tpu.dot_dimension_numbers<[1], [0], [0], [1], [0, 0, 1, 1], [], []>, transpose_lhs_hint = false} : vector<2048x1024xf32>, vector<1024x8xf32>, vector<2048x8xf32> -> vector<2048x8xf32>
    %get3A_6 = arith.constant 0 : index
    %get3A_7 = arith.constant 0 : index
    %get3A_8 = vector.load %arg2[%get3A_6, %get3A_7] : memref<1x8xf32, #tpu.memory_space<vmem>>, vector<1x8xf32>
    %add3A = vector.broadcast %get3A_8 : vector<1x8xf32> to vector<2048x8xf32>
    %add3A_9 = arith.addf %dot_general3A_5, %add3A : vector<2048x8xf32>
    %reduce_max3A = arith.constant dense<0xFF800000> : vector<2048xf32>
    %reduce_max3A_10 = vector.multi_reduction <maximumf>, %add3A_9, %reduce_max3A [1] : vector<2048x8xf32> to vector<2048xf32>
    %broadcast_in_dim3A = vector.shape_cast %reduce_max3A_10 : vector<2048xf32> to vector<2048x1xf32>
    %iota3A = tpu.iota {dimensions = array<i32: 1>} : vector<2048x8xi32>
    %ge3A = vector.broadcast %broadcast_in_dim3A : vector<2048x1xf32> to vector<2048x8xf32>
    %ge3A_11 = arith.cmpf oge, %add3A_9, %ge3A : vector<2048x8xf32>
    %jit3A = arith.constant 8 : i32
    %broadcast_in_dim3A_12 = vector.broadcast %jit3A : i32 to vector<2048x8xi32>
    %select_n3A = arith.select %ge3A_11, %iota3A, %broadcast_in_dim3A_12 : vector<2048x8xi1>, vector<2048x8xi32>
    %reduce_min3A = arith.constant dense<2147483647> : vector<2048xi32>
    %reduce_min3A_13 = vector.multi_reduction <minsi>, %select_n3A, %reduce_min3A [1] : vector<2048x8xi32> to vector<2048xi32>
    %broadcast_in_dim3A_14 = vector.shape_cast %reduce_min3A_13 : vector<2048xi32> to vector<2048x1xi32>
    %eq3A = vector.broadcast %broadcast_in_dim3A_14 : vector<2048x1xi32> to vector<2048x8xi32>
    %eq3A_15 = arith.cmpi eq, %iota3A, %eq3A : vector<2048x8xi32>
    %convert_element_type3A = arith.extui %eq3A_15 : vector<2048x8xi1> to vector<2048x8xi32>
    %convert_element_type3A_16 = arith.sitofp %convert_element_type3A : vector<2048x8xi32> to vector<2048x8xf32>
    %reduce_sum3A = arith.constant dense<0.000000e+00> : vector<8xf32>
    %reduce_sum3A_17 = vector.multi_reduction <add>, %convert_element_type3A_16, %reduce_sum3A [0] : vector<2048x8xf32> to vector<8xf32>
    %broadcast_in_dim3A_18 = vector.shape_cast %reduce_sum3A_17 : vector<8xf32> to vector<1x8xf32>
    %convert_element_type3A_19 = arith.fptosi %broadcast_in_dim3A_18 : vector<1x8xf32> to vector<1x8xi32>
    %add3A_20 = arith.constant 128 : i32
    %add3A_21 = vector.broadcast %add3A_20 : i32 to vector<1x8xi32>
    %add3A_22 = arith.addi %convert_element_type3A_19, %add3A_21 : vector<1x8xi32>
    %sub3A = arith.constant 1 : i32
    %sub3A_23 = vector.broadcast %sub3A : i32 to vector<1x8xi32>
    %sub3A_24 = arith.subi %add3A_22, %sub3A_23 : vector<1x8xi32>
    %jit3A_25 = arith.constant 128 : i32
    %div3A = vector.broadcast %jit3A_25 : i32 to vector<1x8xi32>
    %div3A_26 = arith.divsi %sub3A_24, %div3A : vector<1x8xi32>
    %sign3A = arith.constant 0 : i32
    %sign3A_27 = vector.broadcast %sign3A : i32 to vector<1x8xi32>
    %sign3A_28 = arith.cmpi sgt, %sub3A_24, %sign3A_27 : vector<1x8xi32>
    %sign3A_29 = arith.extui %sign3A_28 : vector<1x8xi1> to vector<1x8xi32>
    %sign3A_30 = arith.constant 0 : i32
    %sign3A_31 = vector.broadcast %sign3A_30 : i32 to vector<1x8xi32>
    %sign3A_32 = arith.cmpi slt, %sub3A_24, %sign3A_31 : vector<1x8xi32>
    %sign3A_33 = arith.extui %sign3A_32 : vector<1x8xi1> to vector<1x8xi32>
    %sign3A_34 = arith.subi %sign3A_29, %sign3A_33 : vector<1x8xi32>
    %sign3A_35 = arith.constant 0 : i32
    %sign3A_36 = arith.cmpi sgt, %jit3A_25, %sign3A_35 : i32
    %sign3A_37 = arith.extui %sign3A_36 : i1 to i32
    %sign3A_38 = arith.constant 0 : i32
    %sign3A_39 = arith.cmpi slt, %jit3A_25, %sign3A_38 : i32
    %sign3A_40 = arith.extui %sign3A_39 : i1 to i32
    %sign3A_41 = arith.subi %sign3A_37, %sign3A_40 : i32
    %ne3A = vector.broadcast %sign3A_41 : i32 to vector<1x8xi32>
    %ne3A_42 = arith.cmpi ne, %sign3A_34, %ne3A : vector<1x8xi32>
    %rem3A = vector.broadcast %jit3A_25 : i32 to vector<1x8xi32>
    %rem3A_43 = arith.remsi %sub3A_24, %rem3A : vector<1x8xi32>
    %ne3A_44 = arith.constant 0 : i32
    %ne3A_45 = vector.broadcast %ne3A_44 : i32 to vector<1x8xi32>
    %ne3A_46 = arith.cmpi ne, %rem3A_43, %ne3A_45 : vector<1x8xi32>
    %and3A = arith.andi %ne3A_42, %ne3A_46 : vector<1x8xi1>
    %sub3A_47 = arith.constant 1 : i32
    %sub3A_48 = vector.broadcast %sub3A_47 : i32 to vector<1x8xi32>
    %sub3A_49 = arith.subi %div3A_26, %sub3A_48 : vector<1x8xi32>
    %select_n3A_50 = arith.select %and3A, %sub3A_49, %div3A_26 : vector<1x8xi1>, vector<1x8xi32>
    %mul3A = arith.constant 128 : i32
    %mul3A_51 = vector.broadcast %mul3A : i32 to vector<1x8xi32>
    %mul3A_52 = arith.muli %select_n3A_50, %mul3A_51 : vector<1x8xi32>
    %iota3A_53 = tpu.iota {dimensions = array<i32: 0>} : vector<8x8xi32>
    %iota3A_54 = tpu.iota {dimensions = array<i32: 1>} : vector<8x8xi32>
    %convert_element_type3A_55 = arith.sitofp %mul3A_52 : vector<1x8xi32> to vector<1x8xf32>
    %lt3A = arith.cmpi slt, %iota3A_53, %iota3A_54 : vector<8x8xi32>
    %convert_element_type3A_56 = arith.extui %lt3A : vector<8x8xi1> to vector<8x8xi32>
    %convert_element_type3A_57 = arith.sitofp %convert_element_type3A_56 : vector<8x8xi32> to vector<8x8xf32>
    %dot_general3A_58 = arith.constant dense<0.000000e+00> : vector<1x8xf32>
    %dot_general3A_59 = tpu.matmul %convert_element_type3A_55, %convert_element_type3A_57, %dot_general3A_58 {dimension_numbers = #tpu.dot_dimension_numbers<[1], [0], [0], [1], [0, 0, 1, 1], [], []>, transpose_lhs_hint = false} : vector<1x8xf32>, vector<8x8xf32>, vector<1x8xf32> -> vector<1x8xf32>
    %convert_element_type3A_60 = arith.fptosi %dot_general3A_59 : vector<1x8xf32> to vector<1x8xi32>
    %reshape3A = vector.shape_cast %convert_element_type3A_16 : vector<2048x8xf32> to vector<4x512x8xf32>
    %reduce_sum3A_61 = arith.constant dense<0.000000e+00> : vector<4x8xf32>
    %reduce_sum3A_62 = vector.multi_reduction <add>, %reshape3A, %reduce_sum3A_61 [1] : vector<4x512x8xf32> to vector<4x8xf32>
    %iota3A_63 = tpu.iota {dimensions = array<i32: 0>} : vector<4x4xi32>
    %iota3A_64 = tpu.iota {dimensions = array<i32: 1>} : vector<4x4xi32>
    %gt3A = arith.cmpi sgt, %iota3A_63, %iota3A_64 : vector<4x4xi32>
    %convert_element_type3A_65 = arith.extui %gt3A : vector<4x4xi1> to vector<4x4xi32>
    %convert_element_type3A_66 = arith.sitofp %convert_element_type3A_65 : vector<4x4xi32> to vector<4x4xf32>
    %dot_general3A_67 = arith.constant dense<0.000000e+00> : vector<4x8xf32>
    %dot_general3A_68 = tpu.matmul %convert_element_type3A_66, %reduce_sum3A_62, %dot_general3A_67 {dimension_numbers = #tpu.dot_dimension_numbers<[1], [0], [0], [1], [0, 0, 1, 1], [], []>, transpose_lhs_hint = false} : vector<4x4xf32>, vector<4x8xf32>, vector<4x8xf32> -> vector<4x8xf32>
    %iota3A_69 = tpu.iota {dimensions = array<i32: 0>} : vector<512x512xi32>
    %iota3A_70 = tpu.iota {dimensions = array<i32: 1>} : vector<512x512xi32>
    %gt3A_71 = arith.cmpi sgt, %iota3A_69, %iota3A_70 : vector<512x512xi32>
    %convert_element_type3A_72 = arith.extui %gt3A_71 : vector<512x512xi1> to vector<512x512xi32>
    %convert_element_type3A_73 = arith.sitofp %convert_element_type3A_72 : vector<512x512xi32> to vector<512x512xf32>
    %slice3A = vector.extract_strided_slice %reshape3A {offsets = [0, 0, 0], sizes = [1, 512, 8], strides = [1, 1, 1]} : vector<4x512x8xf32> to vector<1x512x8xf32>
    %squeeze3A = vector.shape_cast %slice3A : vector<1x512x8xf32> to vector<512x8xf32>
    %dot_general3A_74 = arith.constant dense<0.000000e+00> : vector<512x8xf32>
    %dot_general3A_75 = tpu.matmul %convert_element_type3A_73, %squeeze3A, %dot_general3A_74 {dimension_numbers = #tpu.dot_dimension_numbers<[1], [0], [0], [1], [0, 0, 1, 1], [], []>, transpose_lhs_hint = false} : vector<512x512xf32>, vector<512x8xf32>, vector<512x8xf32> -> vector<512x8xf32>
    %slice3A_76 = vector.extract_strided_slice %dot_general3A_68 {offsets = [0, 0], sizes = [1, 8], strides = [1, 1]} : vector<4x8xf32> to vector<1x8xf32>
    %squeeze3A_77 = vector.shape_cast %slice3A_76 : vector<1x8xf32> to vector<8xf32>
    %broadcast_in_dim3A_78 = vector.shape_cast %squeeze3A_77 : vector<8xf32> to vector<1x8xf32>
    %add3A_79 = vector.broadcast %broadcast_in_dim3A_78 : vector<1x8xf32> to vector<512x8xf32>
    %add3A_80 = arith.addf %dot_general3A_75, %add3A_79 : vector<512x8xf32>
    %slice3A_81 = vector.extract_strided_slice %reshape3A {offsets = [1, 0, 0], sizes = [1, 512, 8], strides = [1, 1, 1]} : vector<4x512x8xf32> to vector<1x512x8xf32>
    %squeeze3A_82 = vector.shape_cast %slice3A_81 : vector<1x512x8xf32> to vector<512x8xf32>
    %dot_general3A_83 = arith.constant dense<0.000000e+00> : vector<512x8xf32>
    %dot_general3A_84 = tpu.matmul %convert_element_type3A_73, %squeeze3A_82, %dot_general3A_83 {dimension_numbers = #tpu.dot_dimension_numbers<[1], [0], [0], [1], [0, 0, 1, 1], [], []>, transpose_lhs_hint = false} : vector<512x512xf32>, vector<512x8xf32>, vector<512x8xf32> -> vector<512x8xf32>
    %slice3A_85 = vector.extract_strided_slice %dot_general3A_68 {offsets = [1, 0], sizes = [1, 8], strides = [1, 1]} : vector<4x8xf32> to vector<1x8xf32>
    %squeeze3A_86 = vector.shape_cast %slice3A_85 : vector<1x8xf32> to vector<8xf32>
    %broadcast_in_dim3A_87 = vector.shape_cast %squeeze3A_86 : vector<8xf32> to vector<1x8xf32>
    %add3A_88 = vector.broadcast %broadcast_in_dim3A_87 : vector<1x8xf32> to vector<512x8xf32>
    %add3A_89 = arith.addf %dot_general3A_84, %add3A_88 : vector<512x8xf32>
    %slice3A_90 = vector.extract_strided_slice %reshape3A {offsets = [2, 0, 0], sizes = [1, 512, 8], strides = [1, 1, 1]} : vector<4x512x8xf32> to vector<1x512x8xf32>
    %squeeze3A_91 = vector.shape_cast %slice3A_90 : vector<1x512x8xf32> to vector<512x8xf32>
    %dot_general3A_92 = arith.constant dense<0.000000e+00> : vector<512x8xf32>
    %dot_general3A_93 = tpu.matmul %convert_element_type3A_73, %squeeze3A_91, %dot_general3A_92 {dimension_numbers = #tpu.dot_dimension_numbers<[1], [0], [0], [1], [0, 0, 1, 1], [], []>, transpose_lhs_hint = false} : vector<512x512xf32>, vector<512x8xf32>, vector<512x8xf32> -> vector<512x8xf32>
    %slice3A_94 = vector.extract_strided_slice %dot_general3A_68 {offsets = [2, 0], sizes = [1, 8], strides = [1, 1]} : vector<4x8xf32> to vector<1x8xf32>
    %squeeze3A_95 = vector.shape_cast %slice3A_94 : vector<1x8xf32> to vector<8xf32>
    %broadcast_in_dim3A_96 = vector.shape_cast %squeeze3A_95 : vector<8xf32> to vector<1x8xf32>
    %add3A_97 = vector.broadcast %broadcast_in_dim3A_96 : vector<1x8xf32> to vector<512x8xf32>
    %add3A_98 = arith.addf %dot_general3A_93, %add3A_97 : vector<512x8xf32>
    %slice3A_99 = vector.extract_strided_slice %reshape3A {offsets = [3, 0, 0], sizes = [1, 512, 8], strides = [1, 1, 1]} : vector<4x512x8xf32> to vector<1x512x8xf32>
    %squeeze3A_100 = vector.shape_cast %slice3A_99 : vector<1x512x8xf32> to vector<512x8xf32>
    %dot_general3A_101 = arith.constant dense<0.000000e+00> : vector<512x8xf32>
    %dot_general3A_102 = tpu.matmul %convert_element_type3A_73, %squeeze3A_100, %dot_general3A_101 {dimension_numbers = #tpu.dot_dimension_numbers<[1], [0], [0], [1], [0, 0, 1, 1], [], []>, transpose_lhs_hint = false} : vector<512x512xf32>, vector<512x8xf32>, vector<512x8xf32> -> vector<512x8xf32>
    %slice3A_103 = vector.extract_strided_slice %dot_general3A_68 {offsets = [3, 0], sizes = [1, 8], strides = [1, 1]} : vector<4x8xf32> to vector<1x8xf32>
    %squeeze3A_104 = vector.shape_cast %slice3A_103 : vector<1x8xf32> to vector<8xf32>
    %broadcast_in_dim3A_105 = vector.shape_cast %squeeze3A_104 : vector<8xf32> to vector<1x8xf32>
    %add3A_106 = vector.broadcast %broadcast_in_dim3A_105 : vector<1x8xf32> to vector<512x8xf32>
    %add3A_107 = arith.addf %dot_general3A_102, %add3A_106 : vector<512x8xf32>
    %concatenate3A = tpu.concatenate %add3A_80, %add3A_89, %add3A_98, %add3A_107 in 0 : vector<512x8xf32>, vector<512x8xf32>, vector<512x8xf32>, vector<512x8xf32> -> vector<2048x8xf32>
    %mul3A_108 = arith.mulf %concatenate3A, %convert_element_type3A_16 : vector<2048x8xf32>
    %reduce_sum3A_109 = arith.constant dense<0.000000e+00> : vector<2048xf32>
    %reduce_sum3A_110 = vector.multi_reduction <add>, %mul3A_108, %reduce_sum3A_109 [1] : vector<2048x8xf32> to vector<2048xf32>
    %broadcast_in_dim3A_111 = vector.shape_cast %reduce_sum3A_110 : vector<2048xf32> to vector<2048x1xf32>
    %convert_element_type3A_112 = arith.sitofp %convert_element_type3A_60 : vector<1x8xi32> to vector<1x8xf32>
    %mul3A_113 = vector.broadcast %convert_element_type3A_112 : vector<1x8xf32> to vector<2048x8xf32>
    %mul3A_114 = arith.mulf %mul3A_113, %convert_element_type3A_16 : vector<2048x8xf32>
    %reduce_sum3A_115 = arith.constant dense<0.000000e+00> : vector<2048xf32>
    %reduce_sum3A_116 = vector.multi_reduction <add>, %mul3A_114, %reduce_sum3A_115 [1] : vector<2048x8xf32> to vector<2048xf32>
    %broadcast_in_dim3A_117 = vector.shape_cast %reduce_sum3A_116 : vector<2048xf32> to vector<2048x1xf32>
    %add3A_118 = arith.addf %broadcast_in_dim3A_117, %broadcast_in_dim3A_111 : vector<2048x1xf32>
    %convert_element_type3A_119 = arith.fptosi %add3A_118 : vector<2048x1xf32> to vector<2048x1xi32>
    %swap3A = arith.constant 0 : index
    %swap3A_120 = arith.constant 0 : index
    %swap3A_121 = vector.load %arg3[%swap3A, %swap3A_120] : memref<2048x1xi32, #tpu.memory_space<vmem>>, vector<2048x1xi32>
    tpu.vector_store %arg3[%swap3A, %swap3A_120], %convert_element_type3A_119 {strides = array<i32>} : memref<2048x1xi32, #tpu.memory_space<vmem>>, vector<2048x1xi32>,
    %reduce_sum3A_122 = arith.constant dense<0> : vector<1xi32>
    %reduce_sum3A_123 = vector.multi_reduction <add>, %mul3A_52, %reduce_sum3A_122 [1] : vector<1x8xi32> to vector<1xi32>
    %broadcast_in_dim3A_124 = vector.shape_cast %reduce_sum3A_123 : vector<1xi32> to vector<1x1xi32>
    %jit3A_125 = arith.constant 128 : i32
    %div3A_126 = vector.broadcast %jit3A_125 : i32 to vector<1x1xi32>
    %div3A_127 = arith.divsi %broadcast_in_dim3A_124, %div3A_126 : vector<1x1xi32>
    %sign3A_128 = arith.constant 0 : i32
    %sign3A_129 = vector.broadcast %sign3A_128 : i32 to vector<1x1xi32>
    %sign3A_130 = arith.cmpi sgt, %broadcast_in_dim3A_124, %sign3A_129 : vector<1x1xi32>
    %sign3A_131 = arith.extui %sign3A_130 : vector<1x1xi1> to vector<1x1xi32>
    %sign3A_132 = arith.constant 0 : i32
    %sign3A_133 = vector.broadcast %sign3A_132 : i32 to vector<1x1xi32>
    %sign3A_134 = arith.cmpi slt, %broadcast_in_dim3A_124, %sign3A_133 : vector<1x1xi32>
    %sign3A_135 = arith.extui %sign3A_134 : vector<1x1xi1> to vector<1x1xi32>
    %sign3A_136 = arith.subi %sign3A_131, %sign3A_135 : vector<1x1xi32>
    %sign3A_137 = arith.constant 0 : i32
    %sign3A_138 = arith.cmpi sgt, %jit3A_125, %sign3A_137 : i32
    %sign3A_139 = arith.extui %sign3A_138 : i1 to i32
    %sign3A_140 = arith.constant 0 : i32
    %sign3A_141 = arith.cmpi slt, %jit3A_125, %sign3A_140 : i32
    %sign3A_142 = arith.extui %sign3A_141 : i1 to i32
    %sign3A_143 = arith.subi %sign3A_139, %sign3A_142 : i32
    %ne3A_144 = vector.broadcast %sign3A_143 : i32 to vector<1x1xi32>
    %ne3A_145 = arith.cmpi ne, %sign3A_136, %ne3A_144 : vector<1x1xi32>
    %rem3A_146 = vector.broadcast %jit3A_125 : i32 to vector<1x1xi32>
    %rem3A_147 = arith.remsi %broadcast_in_dim3A_124, %rem3A_146 : vector<1x1xi32>
    %ne3A_148 = arith.constant 0 : i32
    %ne3A_149 = vector.broadcast %ne3A_148 : i32 to vector<1x1xi32>
    %ne3A_150 = arith.cmpi ne, %rem3A_147, %ne3A_149 : vector<1x1xi32>
    %and3A_151 = arith.andi %ne3A_145, %ne3A_150 : vector<1x1xi1>
    %sub3A_152 = arith.constant 1 : i32
    %sub3A_153 = vector.broadcast %sub3A_152 : i32 to vector<1x1xi32>
    %sub3A_154 = arith.subi %div3A_127, %sub3A_153 : vector<1x1xi32>
    %select_n3A_155 = arith.select %and3A_151, %sub3A_154, %div3A_127 : vector<1x1xi1>, vector<1x1xi32>
    %jit3A_156 = arith.constant 128 : i32
    %div3A_157 = vector.broadcast %jit3A_156 : i32 to vector<1x8xi32>
    %div3A_158 = arith.divsi %convert_element_type3A_60, %div3A_157 : vector<1x8xi32>
    %sign3A_159 = arith.constant 0 : i32
    %sign3A_160 = vector.broadcast %sign3A_159 : i32 to vector<1x8xi32>
    %sign3A_161 = arith.cmpi sgt, %convert_element_type3A_60, %sign3A_160 : vector<1x8xi32>
    %sign3A_162 = arith.extui %sign3A_161 : vector<1x8xi1> to vector<1x8xi32>
    %sign3A_163 = arith.constant 0 : i32
    %sign3A_164 = vector.broadcast %sign3A_163 : i32 to vector<1x8xi32>
    %sign3A_165 = arith.cmpi slt, %convert_element_type3A_60, %sign3A_164 : vector<1x8xi32>
    %sign3A_166 = arith.extui %sign3A_165 : vector<1x8xi1> to vector<1x8xi32>
    %sign3A_167 = arith.subi %sign3A_162, %sign3A_166 : vector<1x8xi32>
    %sign3A_168 = arith.constant 0 : i32
    %sign3A_169 = arith.cmpi sgt, %jit3A_156, %sign3A_168 : i32
    %sign3A_170 = arith.extui %sign3A_169 : i1 to i32
    %sign3A_171 = arith.constant 0 : i32
    %sign3A_172 = arith.cmpi slt, %jit3A_156, %sign3A_171 : i32
    %sign3A_173 = arith.extui %sign3A_172 : i1 to i32
    %sign3A_174 = arith.subi %sign3A_170, %sign3A_173 : i32
    %ne3A_175 = vector.broadcast %sign3A_174 : i32 to vector<1x8xi32>
    %ne3A_176 = arith.cmpi ne, %sign3A_167, %ne3A_175 : vector<1x8xi32>
    %rem3A_177 = vector.broadcast %jit3A_156 : i32 to vector<1x8xi32>
    %rem3A_178 = arith.remsi %convert_element_type3A_60, %rem3A_177 : vector<1x8xi32>
    %ne3A_179 = arith.constant 0 : i32
    %ne3A_180 = vector.broadcast %ne3A_179 : i32 to vector<1x8xi32>
    %ne3A_181 = arith.cmpi ne, %rem3A_178, %ne3A_180 : vector<1x8xi32>
    %and3A_182 = arith.andi %ne3A_176, %ne3A_181 : vector<1x8xi1>
    %sub3A_183 = arith.constant 1 : i32
    %sub3A_184 = vector.broadcast %sub3A_183 : i32 to vector<1x8xi32>
    %sub3A_185 = arith.subi %div3A_158, %sub3A_184 : vector<1x8xi32>
    %select_n3A_186 = arith.select %and3A_182, %sub3A_185, %div3A_158 : vector<1x8xi1>, vector<1x8xi32>
    %iota3A_187 = tpu.iota {dimensions = array<i32: 0>} : vector<32x1xi32>
    %sub3A_188 = arith.constant 1 : i32
    %sub3A_189 = vector.broadcast %sub3A_188 : i32 to vector<1x1xi32>
    %sub3A_190 = arith.subi %select_n3A_155, %sub3A_189 : vector<1x1xi32>
    %min3A = vector.broadcast %sub3A_190 : vector<1x1xi32> to vector<32x1xi32>
    %min3A_191 = arith.minsi %iota3A_187, %min3A : vector<32x1xi32>
    %ge3A_192 = vector.broadcast %min3A_191 : vector<32x1xi32> to vector<32x8xi32>
    %ge3A_193 = vector.broadcast %select_n3A_186 : vector<1x8xi32> to vector<32x8xi32>
    %ge3A_194 = arith.cmpi sge, %ge3A_192, %ge3A_193 : vector<32x8xi32>
    %convert_element_type3A_195 = arith.extui %ge3A_194 : vector<32x8xi1> to vector<32x8xi32>
    %reduce_sum3A_196 = arith.constant dense<0> : vector<32xi32>
    %reduce_sum3A_197 = vector.multi_reduction <add>, %convert_element_type3A_195, %reduce_sum3A_196 [1] : vector<32x8xi32> to vector<32xi32>
    %broadcast_in_dim3A_198 = vector.shape_cast %reduce_sum3A_197 : vector<32xi32> to vector<32x1xi32>
    %sub3A_199 = arith.constant 1 : i32
    %sub3A_200 = vector.broadcast %sub3A_199 : i32 to vector<32x1xi32>
    %sub3A_201 = arith.subi %broadcast_in_dim3A_198, %sub3A_200 : vector<32x1xi32>
    %lt3A_202 = vector.broadcast %select_n3A_155 : vector<1x1xi32> to vector<32x1xi32>
    %lt3A_203 = arith.cmpi slt, %iota3A_187, %lt3A_202 : vector<32x1xi32>
    %convert_element_type3A_204 = arith.extui %lt3A_203 : vector<32x1xi1> to vector<32x1xi32>
    %gt3A_205 = arith.constant 0 : i32
    %gt3A_206 = vector.broadcast %gt3A_205 : i32 to vector<1x8xi32>
    %gt3A_207 = arith.cmpi sgt, %convert_element_type3A_19, %gt3A_206 : vector<1x8xi32>
    %convert_element_type3A_208 = arith.extui %gt3A_207 : vector<1x8xi1> to vector<1x8xi32>
    %convert_element_type3A_209 = arith.sitofp %convert_element_type3A_208 : vector<1x8xi32> to vector<1x8xf32>
    %lt3A_210 = arith.cmpi slt, %iota3A_53, %iota3A_54 : vector<8x8xi32>
    %convert_element_type3A_211 = arith.extui %lt3A_210 : vector<8x8xi1> to vector<8x8xi32>
    %convert_element_type3A_212 = arith.sitofp %convert_element_type3A_211 : vector<8x8xi32> to vector<8x8xf32>
    %dot_general3A_213 = arith.constant dense<0.000000e+00> : vector<1x8xf32>
    %dot_general3A_214 = tpu.matmul %convert_element_type3A_209, %convert_element_type3A_212, %dot_general3A_213 {dimension_numbers = #tpu.dot_dimension_numbers<[1], [0], [0], [1], [0, 0, 1, 1], [], []>, transpose_lhs_hint = false} : vector<1x8xf32>, vector<8x8xf32>, vector<1x8xf32> -> vector<1x8xf32>
    %iota3A_215 = tpu.iota {dimensions = array<i32: 1>} : vector<32x8xi32>
    %eq3A_216 = vector.broadcast %sub3A_201 : vector<32x1xi32> to vector<32x8xi32>
    %eq3A_217 = arith.cmpi eq, %eq3A_216, %iota3A_215 : vector<32x8xi32>
    %convert_element_type3A_218 = arith.extui %eq3A_217 : vector<32x8xi1> to vector<32x8xi32>
    %convert_element_type3A_219 = arith.sitofp %convert_element_type3A_218 : vector<32x8xi32> to vector<32x8xf32>
    %mul3A_220 = vector.broadcast %dot_general3A_214 : vector<1x8xf32> to vector<32x8xf32>
    %mul3A_221 = arith.mulf %convert_element_type3A_219, %mul3A_220 : vector<32x8xf32>
    %reduce_sum3A_222 = arith.constant dense<0.000000e+00> : vector<32xf32>
    %reduce_sum3A_223 = vector.multi_reduction <add>, %mul3A_221, %reduce_sum3A_222 [1] : vector<32x8xf32> to vector<32xf32>
    %broadcast_in_dim3A_224 = vector.shape_cast %reduce_sum3A_223 : vector<32xf32> to vector<32x1xf32>
    %convert_element_type3A_225 = arith.fptosi %broadcast_in_dim3A_224 : vector<32x1xf32> to vector<32x1xi32>
    %convert_element_type3A_226 = arith.sitofp %select_n3A_186 : vector<1x8xi32> to vector<1x8xf32>
    %mul3A_227 = vector.broadcast %convert_element_type3A_226 : vector<1x8xf32> to vector<32x8xf32>
    %mul3A_228 = arith.mulf %convert_element_type3A_219, %mul3A_227 : vector<32x8xf32>
    %reduce_sum3A_229 = arith.constant dense<0.000000e+00> : vector<32xf32>
    %reduce_sum3A_230 = vector.multi_reduction <add>, %mul3A_228, %reduce_sum3A_229 [1] : vector<32x8xf32> to vector<32xf32>
    %broadcast_in_dim3A_231 = vector.shape_cast %reduce_sum3A_230 : vector<32xf32> to vector<32x1xf32>
    %convert_element_type3A_232 = arith.fptosi %broadcast_in_dim3A_231 : vector<32x1xf32> to vector<32x1xi32>
    %eq3A_233 = arith.cmpi eq, %min3A_191, %convert_element_type3A_232 : vector<32x1xi32>
    %gt3A_234 = arith.constant 0 : i32
    %gt3A_235 = vector.broadcast %gt3A_234 : i32 to vector<32x1xi32>
    %gt3A_236 = arith.cmpi sgt, %convert_element_type3A_204, %gt3A_235 : vector<32x1xi32>
    %and3A_237 = arith.andi %eq3A_233, %gt3A_236 : vector<32x1xi1>
    %convert_element_type3A_238 = arith.extui %and3A_237 : vector<32x1xi1> to vector<32x1xi32>
    %broadcast_in_dim3A_239 = arith.constant 0 : i32
    %broadcast_in_dim3A_240 = vector.broadcast %broadcast_in_dim3A_239 : i32 to vector<32x3xi32>
    %concatenate3A_241 = tpu.concatenate %sub3A_201, %min3A_191, %convert_element_type3A_204, %convert_element_type3A_238, %convert_element_type3A_225, %broadcast_in_dim3A_240 in 1 : vector<32x1xi32>, vector<32x1xi32>, vector<32x1xi32>, vector<32x1xi32>, vector<32x1xi32>, vector<32x3xi32> -> vector<32x8xi32>
    %swap3A_242 = arith.constant 0 : index
    %swap3A_243 = arith.constant 0 : index
    %swap3A_244 = vector.load %arg4[%swap3A_242, %swap3A_243] : memref<32x8xi32, #tpu.memory_space<vmem>>, vector<32x8xi32>
    tpu.vector_store %arg4[%swap3A_242, %swap3A_243], %concatenate3A_241 {strides = array<i32>} : memref<32x8xi32, #tpu.memory_space<vmem>>, vector<32x8xi32>,
    %convert_element_type3A_245 = arith.fptosi %dot_general3A_214 : vector<1x8xf32> to vector<1x8xi32>
    %iota3A_246 = tpu.iota {dimensions = array<i32: 0>} : vector<8x8xi32>
    %iota3A_247 = tpu.iota {dimensions = array<i32: 1>} : vector<8x8xi32>
    %eq3A_248 = vector.broadcast %convert_element_type3A_245 : vector<1x8xi32> to vector<8x8xi32>
    %eq3A_249 = arith.cmpi eq, %eq3A_248, %iota3A_246 : vector<8x8xi32>
    %gt3A_250 = arith.constant 0 : i32
    %gt3A_251 = vector.broadcast %gt3A_250 : i32 to vector<1x8xi32>
    %gt3A_252 = arith.cmpi sgt, %convert_element_type3A_19, %gt3A_251 : vector<1x8xi32>
    %and3A_253 = vector.broadcast %gt3A_252 : vector<1x8xi1> to vector<8x8xi1>
    %and3A_254 = arith.andi %eq3A_249, %and3A_253 : vector<8x8xi1>
    %convert_element_type3A_255 = arith.extui %and3A_254 : vector<8x8xi1> to vector<8x8xi32>
    %mul3A_256 = arith.muli %convert_element_type3A_255, %iota3A_247 : vector<8x8xi32>
    %reduce_sum3A_257 = arith.constant dense<0> : vector<8xi32>
    %reduce_sum3A_258 = vector.multi_reduction <add>, %mul3A_256, %reduce_sum3A_257 [1] : vector<8x8xi32> to vector<8xi32>
    %broadcast_in_dim3A_259 = vector.shape_cast %reduce_sum3A_258 : vector<8xi32> to vector<8x1xi32>
    %reduce_sum3A_260 = arith.constant dense<0.000000e+00> : vector<1xf32>
    %reduce_sum3A_261 = vector.multi_reduction <add>, %convert_element_type3A_209, %reduce_sum3A_260 [1] : vector<1x8xf32> to vector<1xf32>
    %broadcast_in_dim3A_262 = vector.shape_cast %reduce_sum3A_261 : vector<1xf32> to vector<1x1xf32>
    %convert_element_type3A_263 = arith.fptosi %broadcast_in_dim3A_262 : vector<1x1xf32> to vector<1x1xi32>
    %broadcast_in_dim3A_264 = arith.constant 0 : i32
    %broadcast_in_dim3A_265 = vector.broadcast %broadcast_in_dim3A_264 : i32 to vector<7x1xi32>
    %concatenate3A_266 = tpu.concatenate %broadcast_in_dim3A_259, %convert_element_type3A_263, %broadcast_in_dim3A_265 in 0 : vector<8x1xi32>, vector<1x1xi32>, vector<7x1xi32> -> vector<16x1xi32>
    %swap3A_267 = arith.constant 0 : index
    %swap3A_268 = arith.constant 0 : index
    %swap3A_269 = vector.load %arg5[%swap3A_267, %swap3A_268] : memref<16x1xi32, #tpu.memory_space<vmem>>, vector<16x1xi32>
    tpu.vector_store %arg5[%swap3A_267, %swap3A_268], %concatenate3A_266 {strides = array<i32>} : memref<16x1xi32, #tpu.memory_space<vmem>>, vector<16x1xi32>,
    return
  }
}

module attributes {stable_mosaic.version = 14 : i64} {
  func.func @_ffn_body(%arg0: i32, %arg1: i32, %arg2: memref<32x8xi32, #tpu.memory_space<smem>>, %arg3: memref<16xi32, #tpu.memory_space<smem>>, %arg4: memref<2944x1024xf32, #tpu.memory_space<vmem>>, %arg5: memref<8x1024x4096xf32, #tpu.memory_space<any>>, %arg6: memref<1x1x1x1024xf32, #tpu.memory_space<vmem>>, %arg7: memref<8x4096x1024xf32, #tpu.memory_space<any>>, %arg8: memref<1x1x1024xf32, #tpu.memory_space<vmem>>, %arg9: memref<128x1024xf32, #tpu.memory_space<vmem>>, %arg10: memref<2944x1024xf32, #tpu.memory_space<vmem>>, %arg11: memref<4x1024x1024xf32, #tpu.memory_space<vmem>>, %arg12: memref<4x1024x1024xf32, #tpu.memory_space<vmem>>, %arg13: memref<4x!tpu.dma_semaphore, #tpu.memory_space<semaphore_mem>>) attributes {dimension_semantics = [#tpu.dimension_semantics<arbitrary>, #tpu.dimension_semantics<arbitrary>], iteration_bounds = array<i64: 4, 23>, scalar_prefetch = 2 : i64, scratch_operands = 4 : i64, tpu.core_type = #tpu.core_type<tc>, window_params = [{pipeline_mode = #tpu.pipeline_mode<synchronous>, transform_indices = @transform_0, window_bounds = array<i64: 2944, 1024>}, {}, {transform_indices = @transform_2, window_bounds = array<i64: 1, 1, 1, 1024>}, {}, {transform_indices = @transform_4, window_bounds = array<i64: 1, 1, 1024>}, {transform_indices = @transform_5, window_bounds = array<i64: 128, 1024>}]} {
    %get3A = arith.constant 8 : index
    %get3A_0 = memref.load %arg3[%get3A] : memref<16xi32, #tpu.memory_space<smem>>
    %get3A_1 = arith.index_cast %arg1 : i32 to index
    %get3A_2 = arith.constant 4 : index
    %get3A_3 = memref.load %arg2[%get3A_1, %get3A_2] : memref<32x8xi32, #tpu.memory_space<smem>>
    %mul3A = arith.muli %arg0, %get3A_0 : i32
    %add3A = arith.addi %mul3A, %get3A_3 : i32
    %mul3A_4 = arith.constant 4 : i32
    %mul3A_5 = arith.muli %mul3A_4, %get3A_0 : i32
    %get3A_6 = arith.index_cast %arg1 : i32 to index
    %get3A_7 = arith.constant 3 : index
    %get3A_8 = memref.load %arg2[%get3A_6, %get3A_7] : memref<32x8xi32, #tpu.memory_space<smem>>
    %gt3A = arith.constant 0 : i32
    %gt3A_9 = arith.cmpi sgt, %get3A_8, %gt3A : i32
    %eq3A = arith.constant 0 : i32
    %eq3A_10 = arith.cmpi eq, %add3A, %eq3A : i32
    %and3A = arith.andi %gt3A_9, %eq3A_10 : i1
    %convert_element_type3A = arith.extui %and3A : i1 to i32
    %cond3A = arith.constant 0 : i32
    %cond3A_11 = arith.cmpi ne, %convert_element_type3A, %cond3A : i32
    scf.if %cond3A_11 {
      %rem3A = arith.constant 0 : i32
      %rem3A_23 = arith.constant 4 : i32
      %rem3A_24 = arith.remsi %rem3A, %rem3A_23 : i32
      %jit3A = arith.constant 0 : i32
      %div3A = arith.divsi %jit3A, %get3A_0 : i32
      %sign3A = arith.constant 0 : i32
      %sign3A_25 = arith.cmpi sgt, %jit3A, %sign3A : i32
      %sign3A_26 = arith.extui %sign3A_25 : i1 to i32
      %sign3A_27 = arith.constant 0 : i32
      %sign3A_28 = arith.cmpi slt, %jit3A, %sign3A_27 : i32
      %sign3A_29 = arith.extui %sign3A_28 : i1 to i32
      %sign3A_30 = arith.subi %sign3A_26, %sign3A_29 : i32
      %sign3A_31 = arith.constant 0 : i32
      %sign3A_32 = arith.cmpi sgt, %get3A_0, %sign3A_31 : i32
      %sign3A_33 = arith.extui %sign3A_32 : i1 to i32
      %sign3A_34 = arith.constant 0 : i32
      %sign3A_35 = arith.cmpi slt, %get3A_0, %sign3A_34 : i32
      %sign3A_36 = arith.extui %sign3A_35 : i1 to i32
      %sign3A_37 = arith.subi %sign3A_33, %sign3A_36 : i32
      %ne3A = arith.cmpi ne, %sign3A_30, %sign3A_37 : i32
      %rem3A_38 = arith.remsi %jit3A, %get3A_0 : i32
      %ne3A_39 = arith.constant 0 : i32
      %ne3A_40 = arith.cmpi ne, %rem3A_38, %ne3A_39 : i32
      %and3A_41 = arith.andi %ne3A, %ne3A_40 : i1
      %sub3A = arith.constant 1 : i32
      %sub3A_42 = arith.subi %div3A, %sub3A : i32
      %select_n3A = arith.select %and3A_41, %sub3A_42, %div3A : i32
      %mul3A_43 = arith.muli %select_n3A, %get3A_0 : i32
      %sub3A_44 = arith.constant 0 : i32
      %sub3A_45 = arith.subi %sub3A_44, %mul3A_43 : i32
      %get3A_46 = arith.index_cast %sub3A_45 : i32 to index
      %get3A_47 = memref.load %arg3[%get3A_46] : memref<16xi32, #tpu.memory_space<smem>>
      %mul3A_48 = arith.constant 1024 : i32
      %mul3A_49 = arith.muli %select_n3A, %mul3A_48 : i32
      %mul3A_50 = arith.constant 1024 : i32
      %mul3A_51 = arith.muli %select_n3A, %mul3A_50 : i32
      %dma_start3A = tpu.memref_slice %arg13[%rem3A_24] : memref<4x!tpu.dma_semaphore, #tpu.memory_space<semaphore_mem>> -> memref<1x!tpu.dma_semaphore, #tpu.memory_space<semaphore_mem>>
      %dma_start3A_52 = tpu.memref_squeeze %dma_start3A : memref<1x!tpu.dma_semaphore, #tpu.memory_space<semaphore_mem>> -> memref<!tpu.dma_semaphore, #tpu.memory_space<semaphore_mem>>
      %dma_start3A_53 = arith.constant 0 : i32
      %dma_start3A_54 = arith.constant 0 : i32
      %dma_start3A_55 = tpu.memref_slice %arg11[%rem3A_24, %dma_start3A_53, %dma_start3A_54] : memref<4x1024x1024xf32, #tpu.memory_space<vmem>> -> memref<1x1024x1024xf32, #tpu.memory_space<vmem>>
      %dma_start3A_56 = tpu.memref_squeeze %dma_start3A_55 : memref<1x1024x1024xf32, #tpu.memory_space<vmem>> -> memref<1024x1024xf32, #tpu.memory_space<vmem>>
      %dma_start3A_57 = arith.constant 0 : i32
      %dma_start3A_58 = tpu.memref_slice %arg5[%get3A_47, %dma_start3A_57, %mul3A_49] : memref<8x1024x4096xf32, #tpu.memory_space<any>> -> memref<1x1024x1024xf32, #tpu.memory_space<any>>
      %dma_start3A_59 = tpu.memref_squeeze %dma_start3A_58 : memref<1x1024x1024xf32, #tpu.memory_space<any>> -> memref<1024x1024xf32, #tpu.memory_space<any>>
      tpu.enqueue_dma source(%dma_start3A_59 : memref<1024x1024xf32, #tpu.memory_space<any>>) target(%dma_start3A_56 : memref<1024x1024xf32, #tpu.memory_space<vmem>>) target_semaphore(%dma_start3A_52 : memref<!tpu.dma_semaphore, #tpu.memory_space<semaphore_mem>>)
      %dma_start3A_60 = tpu.memref_slice %arg13[%rem3A_24] : memref<4x!tpu.dma_semaphore, #tpu.memory_space<semaphore_mem>> -> memref<1x!tpu.dma_semaphore, #tpu.memory_space<semaphore_mem>>
      %dma_start3A_61 = tpu.memref_squeeze %dma_start3A_60 : memref<1x!tpu.dma_semaphore, #tpu.memory_space<semaphore_mem>> -> memref<!tpu.dma_semaphore, #tpu.memory_space<semaphore_mem>>
      %dma_start3A_62 = arith.constant 0 : i32
      %dma_start3A_63 = arith.constant 0 : i32
      %dma_start3A_64 = tpu.memref_slice %arg12[%rem3A_24, %dma_start3A_62, %dma_start3A_63] : memref<4x1024x1024xf32, #tpu.memory_space<vmem>> -> memref<1x1024x1024xf32, #tpu.memory_space<vmem>>
      %dma_start3A_65 = tpu.memref_squeeze %dma_start3A_64 : memref<1x1024x1024xf32, #tpu.memory_space<vmem>> -> memref<1024x1024xf32, #tpu.memory_space<vmem>>
      %dma_start3A_66 = arith.constant 0 : i32
      %dma_start3A_67 = tpu.memref_slice %arg7[%get3A_47, %mul3A_51, %dma_start3A_66] : memref<8x4096x1024xf32, #tpu.memory_space<any>> -> memref<1x1024x1024xf32, #tpu.memory_space<any>>
      %dma_start3A_68 = tpu.memref_squeeze %dma_start3A_67 : memref<1x1024x1024xf32, #tpu.memory_space<any>> -> memref<1024x1024xf32, #tpu.memory_space<any>>
      tpu.enqueue_dma source(%dma_start3A_68 : memref<1024x1024xf32, #tpu.memory_space<any>>) target(%dma_start3A_65 : memref<1024x1024xf32, #tpu.memory_space<vmem>>) target_semaphore(%dma_start3A_61 : memref<!tpu.dma_semaphore, #tpu.memory_space<semaphore_mem>>)
      %gt3A_69 = arith.constant 1 : i32
      %gt3A_70 = arith.cmpi sgt, %mul3A_5, %gt3A_69 : i32
      %convert_element_type3A_71 = arith.extui %gt3A_70 : i1 to i32
      %cond3A_72 = arith.constant 0 : i32
      %cond3A_73 = arith.cmpi ne, %convert_element_type3A_71, %cond3A_72 : i32
      scf.if %cond3A_73 {
        %rem3A_84 = arith.constant 1 : i32
        %rem3A_85 = arith.constant 4 : i32
        %rem3A_86 = arith.remsi %rem3A_84, %rem3A_85 : i32
        %jit3A_87 = arith.constant 1 : i32
        %div3A_88 = arith.divsi %jit3A_87, %get3A_0 : i32
        %sign3A_89 = arith.constant 0 : i32
        %sign3A_90 = arith.cmpi sgt, %jit3A_87, %sign3A_89 : i32
        %sign3A_91 = arith.extui %sign3A_90 : i1 to i32
        %sign3A_92 = arith.constant 0 : i32
        %sign3A_93 = arith.cmpi slt, %jit3A_87, %sign3A_92 : i32
        %sign3A_94 = arith.extui %sign3A_93 : i1 to i32
        %sign3A_95 = arith.subi %sign3A_91, %sign3A_94 : i32
        %sign3A_96 = arith.constant 0 : i32
        %sign3A_97 = arith.cmpi sgt, %get3A_0, %sign3A_96 : i32
        %sign3A_98 = arith.extui %sign3A_97 : i1 to i32
        %sign3A_99 = arith.constant 0 : i32
        %sign3A_100 = arith.cmpi slt, %get3A_0, %sign3A_99 : i32
        %sign3A_101 = arith.extui %sign3A_100 : i1 to i32
        %sign3A_102 = arith.subi %sign3A_98, %sign3A_101 : i32
        %ne3A_103 = arith.cmpi ne, %sign3A_95, %sign3A_102 : i32
        %rem3A_104 = arith.remsi %jit3A_87, %get3A_0 : i32
        %ne3A_105 = arith.constant 0 : i32
        %ne3A_106 = arith.cmpi ne, %rem3A_104, %ne3A_105 : i32
        %and3A_107 = arith.andi %ne3A_103, %ne3A_106 : i1
        %sub3A_108 = arith.constant 1 : i32
        %sub3A_109 = arith.subi %div3A_88, %sub3A_108 : i32
        %select_n3A_110 = arith.select %and3A_107, %sub3A_109, %div3A_88 : i32
        %mul3A_111 = arith.muli %select_n3A_110, %get3A_0 : i32
        %sub3A_112 = arith.constant 1 : i32
        %sub3A_113 = arith.subi %sub3A_112, %mul3A_111 : i32
        %get3A_114 = arith.index_cast %sub3A_113 : i32 to index
        %get3A_115 = memref.load %arg3[%get3A_114] : memref<16xi32, #tpu.memory_space<smem>>
        %mul3A_116 = arith.constant 1024 : i32
        %mul3A_117 = arith.muli %select_n3A_110, %mul3A_116 : i32
        %mul3A_118 = arith.constant 1024 : i32
        %mul3A_119 = arith.muli %select_n3A_110, %mul3A_118 : i32
        %dma_start3A_120 = tpu.memref_slice %arg13[%rem3A_86] : memref<4x!tpu.dma_semaphore, #tpu.memory_space<semaphore_mem>> -> memref<1x!tpu.dma_semaphore, #tpu.memory_space<semaphore_mem>>
        %dma_start3A_121 = tpu.memref_squeeze %dma_start3A_120 : memref<1x!tpu.dma_semaphore, #tpu.memory_space<semaphore_mem>> -> memref<!tpu.dma_semaphore, #tpu.memory_space<semaphore_mem>>
        %dma_start3A_122 = arith.constant 0 : i32
        %dma_start3A_123 = arith.constant 0 : i32
        %dma_start3A_124 = tpu.memref_slice %arg11[%rem3A_86, %dma_start3A_122, %dma_start3A_123] : memref<4x1024x1024xf32, #tpu.memory_space<vmem>> -> memref<1x1024x1024xf32, #tpu.memory_space<vmem>>
        %dma_start3A_125 = tpu.memref_squeeze %dma_start3A_124 : memref<1x1024x1024xf32, #tpu.memory_space<vmem>> -> memref<1024x1024xf32, #tpu.memory_space<vmem>>
        %dma_start3A_126 = arith.constant 0 : i32
        %dma_start3A_127 = tpu.memref_slice %arg5[%get3A_115, %dma_start3A_126, %mul3A_117] : memref<8x1024x4096xf32, #tpu.memory_space<any>> -> memref<1x1024x1024xf32, #tpu.memory_space<any>>
        %dma_start3A_128 = tpu.memref_squeeze %dma_start3A_127 : memref<1x1024x1024xf32, #tpu.memory_space<any>> -> memref<1024x1024xf32, #tpu.memory_space<any>>
        tpu.enqueue_dma source(%dma_start3A_128 : memref<1024x1024xf32, #tpu.memory_space<any>>) target(%dma_start3A_125 : memref<1024x1024xf32, #tpu.memory_space<vmem>>) target_semaphore(%dma_start3A_121 : memref<!tpu.dma_semaphore, #tpu.memory_space<semaphore_mem>>)
        %dma_start3A_129 = tpu.memref_slice %arg13[%rem3A_86] : memref<4x!tpu.dma_semaphore, #tpu.memory_space<semaphore_mem>> -> memref<1x!tpu.dma_semaphore, #tpu.memory_space<semaphore_mem>>
        %dma_start3A_130 = tpu.memref_squeeze %dma_start3A_129 : memref<1x!tpu.dma_semaphore, #tpu.memory_space<semaphore_mem>> -> memref<!tpu.dma_semaphore, #tpu.memory_space<semaphore_mem>>
        %dma_start3A_131 = arith.constant 0 : i32
        %dma_start3A_132 = arith.constant 0 : i32
        %dma_start3A_133 = tpu.memref_slice %arg12[%rem3A_86, %dma_start3A_131, %dma_start3A_132] : memref<4x1024x1024xf32, #tpu.memory_space<vmem>> -> memref<1x1024x1024xf32, #tpu.memory_space<vmem>>
        %dma_start3A_134 = tpu.memref_squeeze %dma_start3A_133 : memref<1x1024x1024xf32, #tpu.memory_space<vmem>> -> memref<1024x1024xf32, #tpu.memory_space<vmem>>
        %dma_start3A_135 = arith.constant 0 : i32
        %dma_start3A_136 = tpu.memref_slice %arg7[%get3A_115, %mul3A_119, %dma_start3A_135] : memref<8x4096x1024xf32, #tpu.memory_space<any>> -> memref<1x1024x1024xf32, #tpu.memory_space<any>>
        %dma_start3A_137 = tpu.memref_squeeze %dma_start3A_136 : memref<1x1024x1024xf32, #tpu.memory_space<any>> -> memref<1024x1024xf32, #tpu.memory_space<any>>
        tpu.enqueue_dma source(%dma_start3A_137 : memref<1024x1024xf32, #tpu.memory_space<any>>) target(%dma_start3A_134 : memref<1024x1024xf32, #tpu.memory_space<vmem>>) target_semaphore(%dma_start3A_130 : memref<!tpu.dma_semaphore, #tpu.memory_space<semaphore_mem>>)
      } else {
      }
      %gt3A_74 = arith.constant 2 : i32
      %gt3A_75 = arith.cmpi sgt, %mul3A_5, %gt3A_74 : i32
      %convert_element_type3A_76 = arith.extui %gt3A_75 : i1 to i32
      %cond3A_77 = arith.constant 0 : i32
      %cond3A_78 = arith.cmpi ne, %convert_element_type3A_76, %cond3A_77 : i32
      scf.if %cond3A_78 {
        %rem3A_84 = arith.constant 2 : i32
        %rem3A_85 = arith.constant 4 : i32
        %rem3A_86 = arith.remsi %rem3A_84, %rem3A_85 : i32
        %jit3A_87 = arith.constant 2 : i32
        %div3A_88 = arith.divsi %jit3A_87, %get3A_0 : i32
        %sign3A_89 = arith.constant 0 : i32
        %sign3A_90 = arith.cmpi sgt, %jit3A_87, %sign3A_89 : i32
        %sign3A_91 = arith.extui %sign3A_90 : i1 to i32
        %sign3A_92 = arith.constant 0 : i32
        %sign3A_93 = arith.cmpi slt, %jit3A_87, %sign3A_92 : i32
        %sign3A_94 = arith.extui %sign3A_93 : i1 to i32
        %sign3A_95 = arith.subi %sign3A_91, %sign3A_94 : i32
        %sign3A_96 = arith.constant 0 : i32
        %sign3A_97 = arith.cmpi sgt, %get3A_0, %sign3A_96 : i32
        %sign3A_98 = arith.extui %sign3A_97 : i1 to i32
        %sign3A_99 = arith.constant 0 : i32
        %sign3A_100 = arith.cmpi slt, %get3A_0, %sign3A_99 : i32
        %sign3A_101 = arith.extui %sign3A_100 : i1 to i32
        %sign3A_102 = arith.subi %sign3A_98, %sign3A_101 : i32
        %ne3A_103 = arith.cmpi ne, %sign3A_95, %sign3A_102 : i32
        %rem3A_104 = arith.remsi %jit3A_87, %get3A_0 : i32
        %ne3A_105 = arith.constant 0 : i32
        %ne3A_106 = arith.cmpi ne, %rem3A_104, %ne3A_105 : i32
        %and3A_107 = arith.andi %ne3A_103, %ne3A_106 : i1
        %sub3A_108 = arith.constant 1 : i32
        %sub3A_109 = arith.subi %div3A_88, %sub3A_108 : i32
        %select_n3A_110 = arith.select %and3A_107, %sub3A_109, %div3A_88 : i32
        %mul3A_111 = arith.muli %select_n3A_110, %get3A_0 : i32
        %sub3A_112 = arith.constant 2 : i32
        %sub3A_113 = arith.subi %sub3A_112, %mul3A_111 : i32
        %get3A_114 = arith.index_cast %sub3A_113 : i32 to index
        %get3A_115 = memref.load %arg3[%get3A_114] : memref<16xi32, #tpu.memory_space<smem>>
        %mul3A_116 = arith.constant 1024 : i32
        %mul3A_117 = arith.muli %select_n3A_110, %mul3A_116 : i32
        %mul3A_118 = arith.constant 1024 : i32
        %mul3A_119 = arith.muli %select_n3A_110, %mul3A_118 : i32
        %dma_start3A_120 = tpu.memref_slice %arg13[%rem3A_86] : memref<4x!tpu.dma_semaphore, #tpu.memory_space<semaphore_mem>> -> memref<1x!tpu.dma_semaphore, #tpu.memory_space<semaphore_mem>>
        %dma_start3A_121 = tpu.memref_squeeze %dma_start3A_120 : memref<1x!tpu.dma_semaphore, #tpu.memory_space<semaphore_mem>> -> memref<!tpu.dma_semaphore, #tpu.memory_space<semaphore_mem>>
        %dma_start3A_122 = arith.constant 0 : i32
        %dma_start3A_123 = arith.constant 0 : i32
        %dma_start3A_124 = tpu.memref_slice %arg11[%rem3A_86, %dma_start3A_122, %dma_start3A_123] : memref<4x1024x1024xf32, #tpu.memory_space<vmem>> -> memref<1x1024x1024xf32, #tpu.memory_space<vmem>>
        %dma_start3A_125 = tpu.memref_squeeze %dma_start3A_124 : memref<1x1024x1024xf32, #tpu.memory_space<vmem>> -> memref<1024x1024xf32, #tpu.memory_space<vmem>>
        %dma_start3A_126 = arith.constant 0 : i32
        %dma_start3A_127 = tpu.memref_slice %arg5[%get3A_115, %dma_start3A_126, %mul3A_117] : memref<8x1024x4096xf32, #tpu.memory_space<any>> -> memref<1x1024x1024xf32, #tpu.memory_space<any>>
        %dma_start3A_128 = tpu.memref_squeeze %dma_start3A_127 : memref<1x1024x1024xf32, #tpu.memory_space<any>> -> memref<1024x1024xf32, #tpu.memory_space<any>>
        tpu.enqueue_dma source(%dma_start3A_128 : memref<1024x1024xf32, #tpu.memory_space<any>>) target(%dma_start3A_125 : memref<1024x1024xf32, #tpu.memory_space<vmem>>) target_semaphore(%dma_start3A_121 : memref<!tpu.dma_semaphore, #tpu.memory_space<semaphore_mem>>)
        %dma_start3A_129 = tpu.memref_slice %arg13[%rem3A_86] : memref<4x!tpu.dma_semaphore, #tpu.memory_space<semaphore_mem>> -> memref<1x!tpu.dma_semaphore, #tpu.memory_space<semaphore_mem>>
        %dma_start3A_130 = tpu.memref_squeeze %dma_start3A_129 : memref<1x!tpu.dma_semaphore, #tpu.memory_space<semaphore_mem>> -> memref<!tpu.dma_semaphore, #tpu.memory_space<semaphore_mem>>
        %dma_start3A_131 = arith.constant 0 : i32
        %dma_start3A_132 = arith.constant 0 : i32
        %dma_start3A_133 = tpu.memref_slice %arg12[%rem3A_86, %dma_start3A_131, %dma_start3A_132] : memref<4x1024x1024xf32, #tpu.memory_space<vmem>> -> memref<1x1024x1024xf32, #tpu.memory_space<vmem>>
        %dma_start3A_134 = tpu.memref_squeeze %dma_start3A_133 : memref<1x1024x1024xf32, #tpu.memory_space<vmem>> -> memref<1024x1024xf32, #tpu.memory_space<vmem>>
        %dma_start3A_135 = arith.constant 0 : i32
        %dma_start3A_136 = tpu.memref_slice %arg7[%get3A_115, %mul3A_119, %dma_start3A_135] : memref<8x4096x1024xf32, #tpu.memory_space<any>> -> memref<1x1024x1024xf32, #tpu.memory_space<any>>
        %dma_start3A_137 = tpu.memref_squeeze %dma_start3A_136 : memref<1x1024x1024xf32, #tpu.memory_space<any>> -> memref<1024x1024xf32, #tpu.memory_space<any>>
        tpu.enqueue_dma source(%dma_start3A_137 : memref<1024x1024xf32, #tpu.memory_space<any>>) target(%dma_start3A_134 : memref<1024x1024xf32, #tpu.memory_space<vmem>>) target_semaphore(%dma_start3A_130 : memref<!tpu.dma_semaphore, #tpu.memory_space<semaphore_mem>>)
      } else {
      }
      %gt3A_79 = arith.constant 3 : i32
      %gt3A_80 = arith.cmpi sgt, %mul3A_5, %gt3A_79 : i32
      %convert_element_type3A_81 = arith.extui %gt3A_80 : i1 to i32
      %cond3A_82 = arith.constant 0 : i32
      %cond3A_83 = arith.cmpi ne, %convert_element_type3A_81, %cond3A_82 : i32
      scf.if %cond3A_83 {
        %rem3A_84 = arith.constant 3 : i32
        %rem3A_85 = arith.constant 4 : i32
        %rem3A_86 = arith.remsi %rem3A_84, %rem3A_85 : i32
        %jit3A_87 = arith.constant 3 : i32
        %div3A_88 = arith.divsi %jit3A_87, %get3A_0 : i32
        %sign3A_89 = arith.constant 0 : i32
        %sign3A_90 = arith.cmpi sgt, %jit3A_87, %sign3A_89 : i32
        %sign3A_91 = arith.extui %sign3A_90 : i1 to i32
        %sign3A_92 = arith.constant 0 : i32
        %sign3A_93 = arith.cmpi slt, %jit3A_87, %sign3A_92 : i32
        %sign3A_94 = arith.extui %sign3A_93 : i1 to i32
        %sign3A_95 = arith.subi %sign3A_91, %sign3A_94 : i32
        %sign3A_96 = arith.constant 0 : i32
        %sign3A_97 = arith.cmpi sgt, %get3A_0, %sign3A_96 : i32
        %sign3A_98 = arith.extui %sign3A_97 : i1 to i32
        %sign3A_99 = arith.constant 0 : i32
        %sign3A_100 = arith.cmpi slt, %get3A_0, %sign3A_99 : i32
        %sign3A_101 = arith.extui %sign3A_100 : i1 to i32
        %sign3A_102 = arith.subi %sign3A_98, %sign3A_101 : i32
        %ne3A_103 = arith.cmpi ne, %sign3A_95, %sign3A_102 : i32
        %rem3A_104 = arith.remsi %jit3A_87, %get3A_0 : i32
        %ne3A_105 = arith.constant 0 : i32
        %ne3A_106 = arith.cmpi ne, %rem3A_104, %ne3A_105 : i32
        %and3A_107 = arith.andi %ne3A_103, %ne3A_106 : i1
        %sub3A_108 = arith.constant 1 : i32
        %sub3A_109 = arith.subi %div3A_88, %sub3A_108 : i32
        %select_n3A_110 = arith.select %and3A_107, %sub3A_109, %div3A_88 : i32
        %mul3A_111 = arith.muli %select_n3A_110, %get3A_0 : i32
        %sub3A_112 = arith.constant 3 : i32
        %sub3A_113 = arith.subi %sub3A_112, %mul3A_111 : i32
        %get3A_114 = arith.index_cast %sub3A_113 : i32 to index
        %get3A_115 = memref.load %arg3[%get3A_114] : memref<16xi32, #tpu.memory_space<smem>>
        %mul3A_116 = arith.constant 1024 : i32
        %mul3A_117 = arith.muli %select_n3A_110, %mul3A_116 : i32
        %mul3A_118 = arith.constant 1024 : i32
        %mul3A_119 = arith.muli %select_n3A_110, %mul3A_118 : i32
        %dma_start3A_120 = tpu.memref_slice %arg13[%rem3A_86] : memref<4x!tpu.dma_semaphore, #tpu.memory_space<semaphore_mem>> -> memref<1x!tpu.dma_semaphore, #tpu.memory_space<semaphore_mem>>
        %dma_start3A_121 = tpu.memref_squeeze %dma_start3A_120 : memref<1x!tpu.dma_semaphore, #tpu.memory_space<semaphore_mem>> -> memref<!tpu.dma_semaphore, #tpu.memory_space<semaphore_mem>>
        %dma_start3A_122 = arith.constant 0 : i32
        %dma_start3A_123 = arith.constant 0 : i32
        %dma_start3A_124 = tpu.memref_slice %arg11[%rem3A_86, %dma_start3A_122, %dma_start3A_123] : memref<4x1024x1024xf32, #tpu.memory_space<vmem>> -> memref<1x1024x1024xf32, #tpu.memory_space<vmem>>
        %dma_start3A_125 = tpu.memref_squeeze %dma_start3A_124 : memref<1x1024x1024xf32, #tpu.memory_space<vmem>> -> memref<1024x1024xf32, #tpu.memory_space<vmem>>
        %dma_start3A_126 = arith.constant 0 : i32
        %dma_start3A_127 = tpu.memref_slice %arg5[%get3A_115, %dma_start3A_126, %mul3A_117] : memref<8x1024x4096xf32, #tpu.memory_space<any>> -> memref<1x1024x1024xf32, #tpu.memory_space<any>>
        %dma_start3A_128 = tpu.memref_squeeze %dma_start3A_127 : memref<1x1024x1024xf32, #tpu.memory_space<any>> -> memref<1024x1024xf32, #tpu.memory_space<any>>
        tpu.enqueue_dma source(%dma_start3A_128 : memref<1024x1024xf32, #tpu.memory_space<any>>) target(%dma_start3A_125 : memref<1024x1024xf32, #tpu.memory_space<vmem>>) target_semaphore(%dma_start3A_121 : memref<!tpu.dma_semaphore, #tpu.memory_space<semaphore_mem>>)
        %dma_start3A_129 = tpu.memref_slice %arg13[%rem3A_86] : memref<4x!tpu.dma_semaphore, #tpu.memory_space<semaphore_mem>> -> memref<1x!tpu.dma_semaphore, #tpu.memory_space<semaphore_mem>>
        %dma_start3A_130 = tpu.memref_squeeze %dma_start3A_129 : memref<1x!tpu.dma_semaphore, #tpu.memory_space<semaphore_mem>> -> memref<!tpu.dma_semaphore, #tpu.memory_space<semaphore_mem>>
        %dma_start3A_131 = arith.constant 0 : i32
        %dma_start3A_132 = arith.constant 0 : i32
        %dma_start3A_133 = tpu.memref_slice %arg12[%rem3A_86, %dma_start3A_131, %dma_start3A_132] : memref<4x1024x1024xf32, #tpu.memory_space<vmem>> -> memref<1x1024x1024xf32, #tpu.memory_space<vmem>>
        %dma_start3A_134 = tpu.memref_squeeze %dma_start3A_133 : memref<1x1024x1024xf32, #tpu.memory_space<vmem>> -> memref<1024x1024xf32, #tpu.memory_space<vmem>>
        %dma_start3A_135 = arith.constant 0 : i32
        %dma_start3A_136 = tpu.memref_slice %arg7[%get3A_115, %mul3A_119, %dma_start3A_135] : memref<8x4096x1024xf32, #tpu.memory_space<any>> -> memref<1x1024x1024xf32, #tpu.memory_space<any>>
        %dma_start3A_137 = tpu.memref_squeeze %dma_start3A_136 : memref<1x1024x1024xf32, #tpu.memory_space<any>> -> memref<1024x1024xf32, #tpu.memory_space<any>>
        tpu.enqueue_dma source(%dma_start3A_137 : memref<1024x1024xf32, #tpu.memory_space<any>>) target(%dma_start3A_134 : memref<1024x1024xf32, #tpu.memory_space<vmem>>) target_semaphore(%dma_start3A_130 : memref<!tpu.dma_semaphore, #tpu.memory_space<semaphore_mem>>)
      } else {
      }
    } else {
    }
    %convert_element_type3A_12 = arith.extui %gt3A_9 : i1 to i32
    %cond3A_13 = arith.constant 0 : i32
    %cond3A_14 = arith.cmpi ne, %convert_element_type3A_12, %cond3A_13 : i32
    scf.if %cond3A_14 {
      %rem3A = arith.constant 4 : i32
      %rem3A_23 = arith.remsi %add3A, %rem3A : i32
      %div3A = arith.divsi %add3A, %get3A_0 : i32
      %sign3A = arith.constant 0 : i32
      %sign3A_24 = arith.cmpi sgt, %add3A, %sign3A : i32
      %sign3A_25 = arith.extui %sign3A_24 : i1 to i32
      %sign3A_26 = arith.constant 0 : i32
      %sign3A_27 = arith.cmpi slt, %add3A, %sign3A_26 : i32
      %sign3A_28 = arith.extui %sign3A_27 : i1 to i32
      %sign3A_29 = arith.subi %sign3A_25, %sign3A_28 : i32
      %sign3A_30 = arith.constant 0 : i32
      %sign3A_31 = arith.cmpi sgt, %get3A_0, %sign3A_30 : i32
      %sign3A_32 = arith.extui %sign3A_31 : i1 to i32
      %sign3A_33 = arith.constant 0 : i32
      %sign3A_34 = arith.cmpi slt, %get3A_0, %sign3A_33 : i32
      %sign3A_35 = arith.extui %sign3A_34 : i1 to i32
      %sign3A_36 = arith.subi %sign3A_32, %sign3A_35 : i32
      %ne3A = arith.cmpi ne, %sign3A_29, %sign3A_36 : i32
      %rem3A_37 = arith.remsi %add3A, %get3A_0 : i32
      %ne3A_38 = arith.constant 0 : i32
      %ne3A_39 = arith.cmpi ne, %rem3A_37, %ne3A_38 : i32
      %and3A_40 = arith.andi %ne3A, %ne3A_39 : i1
      %sub3A = arith.constant 1 : i32
      %sub3A_41 = arith.subi %div3A, %sub3A : i32
      %select_n3A = arith.select %and3A_40, %sub3A_41, %div3A : i32
      %mul3A_42 = arith.muli %select_n3A, %get3A_0 : i32
      %sub3A_43 = arith.subi %add3A, %mul3A_42 : i32
      %get3A_44 = arith.index_cast %sub3A_43 : i32 to index
      %get3A_45 = memref.load %arg3[%get3A_44] : memref<16xi32, #tpu.memory_space<smem>>
      %mul3A_46 = arith.constant 1024 : i32
      %mul3A_47 = arith.muli %select_n3A, %mul3A_46 : i32
      %mul3A_48 = arith.constant 1024 : i32
      %mul3A_49 = arith.muli %select_n3A, %mul3A_48 : i32
      %dma_wait3A = tpu.memref_slice %arg13[%rem3A_23] : memref<4x!tpu.dma_semaphore, #tpu.memory_space<semaphore_mem>> -> memref<1x!tpu.dma_semaphore, #tpu.memory_space<semaphore_mem>>
      %dma_wait3A_50 = tpu.memref_squeeze %dma_wait3A : memref<1x!tpu.dma_semaphore, #tpu.memory_space<semaphore_mem>> -> memref<!tpu.dma_semaphore, #tpu.memory_space<semaphore_mem>>
      %dma_wait3A_51 = arith.constant 0 : i32
      %dma_wait3A_52 = arith.constant 0 : i32
      %dma_wait3A_53 = tpu.memref_slice %arg11[%rem3A_23, %dma_wait3A_51, %dma_wait3A_52] : memref<4x1024x1024xf32, #tpu.memory_space<vmem>> -> memref<1x1024x1024xf32, #tpu.memory_space<vmem>>
      %dma_wait3A_54 = tpu.memref_squeeze %dma_wait3A_53 : memref<1x1024x1024xf32, #tpu.memory_space<vmem>> -> memref<1024x1024xf32, #tpu.memory_space<vmem>>
      %dma_wait3A_55 = arith.constant 0 : i32
      %dma_wait3A_56 = tpu.memref_slice %arg5[%get3A_45, %dma_wait3A_55, %mul3A_47] : memref<8x1024x4096xf32, #tpu.memory_space<any>> -> memref<1x1024x1024xf32, #tpu.memory_space<any>>
      %dma_wait3A_57 = tpu.memref_squeeze %dma_wait3A_56 : memref<1x1024x1024xf32, #tpu.memory_space<any>> -> memref<1024x1024xf32, #tpu.memory_space<any>>
      tpu.wait_dma2 semaphore(%dma_wait3A_50 : memref<!tpu.dma_semaphore, #tpu.memory_space<semaphore_mem>>) src(%dma_wait3A_57 : memref<1024x1024xf32, #tpu.memory_space<any>>) dst(%dma_wait3A_54 : memref<1024x1024xf32, #tpu.memory_space<vmem>>)
      %dma_wait3A_58 = tpu.memref_slice %arg13[%rem3A_23] : memref<4x!tpu.dma_semaphore, #tpu.memory_space<semaphore_mem>> -> memref<1x!tpu.dma_semaphore, #tpu.memory_space<semaphore_mem>>
      %dma_wait3A_59 = tpu.memref_squeeze %dma_wait3A_58 : memref<1x!tpu.dma_semaphore, #tpu.memory_space<semaphore_mem>> -> memref<!tpu.dma_semaphore, #tpu.memory_space<semaphore_mem>>
      %dma_wait3A_60 = arith.constant 0 : i32
      %dma_wait3A_61 = arith.constant 0 : i32
      %dma_wait3A_62 = tpu.memref_slice %arg12[%rem3A_23, %dma_wait3A_60, %dma_wait3A_61] : memref<4x1024x1024xf32, #tpu.memory_space<vmem>> -> memref<1x1024x1024xf32, #tpu.memory_space<vmem>>
      %dma_wait3A_63 = tpu.memref_squeeze %dma_wait3A_62 : memref<1x1024x1024xf32, #tpu.memory_space<vmem>> -> memref<1024x1024xf32, #tpu.memory_space<vmem>>
      %dma_wait3A_64 = arith.constant 0 : i32
      %dma_wait3A_65 = tpu.memref_slice %arg7[%get3A_45, %mul3A_49, %dma_wait3A_64] : memref<8x4096x1024xf32, #tpu.memory_space<any>> -> memref<1x1024x1024xf32, #tpu.memory_space<any>>
      %dma_wait3A_66 = tpu.memref_squeeze %dma_wait3A_65 : memref<1x1024x1024xf32, #tpu.memory_space<any>> -> memref<1024x1024xf32, #tpu.memory_space<any>>
      tpu.wait_dma2 semaphore(%dma_wait3A_59 : memref<!tpu.dma_semaphore, #tpu.memory_space<semaphore_mem>>) src(%dma_wait3A_66 : memref<1024x1024xf32, #tpu.memory_space<any>>) dst(%dma_wait3A_63 : memref<1024x1024xf32, #tpu.memory_space<vmem>>)
      %gt3A_67 = arith.constant 0 : i32
      %gt3A_68 = arith.cmpi sgt, %add3A, %gt3A_67 : i32
      %add3A_69 = arith.constant 4 : i32
      %add3A_70 = arith.addi %add3A, %add3A_69 : i32
      %sub3A_71 = arith.constant 1 : i32
      %sub3A_72 = arith.subi %add3A_70, %sub3A_71 : i32
      %lt3A = arith.cmpi slt, %sub3A_72, %mul3A_5 : i32
      %and3A_73 = arith.andi %gt3A_68, %lt3A : i1
      %convert_element_type3A_74 = arith.extui %and3A_73 : i1 to i32
      %cond3A_75 = arith.constant 0 : i32
      %cond3A_76 = arith.cmpi ne, %convert_element_type3A_74, %cond3A_75 : i32
      scf.if %cond3A_76 {
        %add3A_77 = arith.constant 4 : i32
        %add3A_78 = arith.addi %add3A, %add3A_77 : i32
        %sub3A_79 = arith.constant 1 : i32
        %sub3A_80 = arith.subi %add3A_78, %sub3A_79 : i32
        %rem3A_81 = arith.constant 4 : i32
        %rem3A_82 = arith.remsi %sub3A_80, %rem3A_81 : i32
        %div3A_83 = arith.divsi %sub3A_80, %get3A_0 : i32
        %sign3A_84 = arith.constant 0 : i32
        %sign3A_85 = arith.cmpi sgt, %sub3A_80, %sign3A_84 : i32
        %sign3A_86 = arith.extui %sign3A_85 : i1 to i32
        %sign3A_87 = arith.constant 0 : i32
        %sign3A_88 = arith.cmpi slt, %sub3A_80, %sign3A_87 : i32
        %sign3A_89 = arith.extui %sign3A_88 : i1 to i32
        %sign3A_90 = arith.subi %sign3A_86, %sign3A_89 : i32
        %sign3A_91 = arith.constant 0 : i32
        %sign3A_92 = arith.cmpi sgt, %get3A_0, %sign3A_91 : i32
        %sign3A_93 = arith.extui %sign3A_92 : i1 to i32
        %sign3A_94 = arith.constant 0 : i32
        %sign3A_95 = arith.cmpi slt, %get3A_0, %sign3A_94 : i32
        %sign3A_96 = arith.extui %sign3A_95 : i1 to i32
        %sign3A_97 = arith.subi %sign3A_93, %sign3A_96 : i32
        %ne3A_98 = arith.cmpi ne, %sign3A_90, %sign3A_97 : i32
        %rem3A_99 = arith.remsi %sub3A_80, %get3A_0 : i32
        %ne3A_100 = arith.constant 0 : i32
        %ne3A_101 = arith.cmpi ne, %rem3A_99, %ne3A_100 : i32
        %and3A_102 = arith.andi %ne3A_98, %ne3A_101 : i1
        %sub3A_103 = arith.constant 1 : i32
        %sub3A_104 = arith.subi %div3A_83, %sub3A_103 : i32
        %select_n3A_105 = arith.select %and3A_102, %sub3A_104, %div3A_83 : i32
        %mul3A_106 = arith.muli %select_n3A_105, %get3A_0 : i32
        %sub3A_107 = arith.subi %sub3A_80, %mul3A_106 : i32
        %get3A_108 = arith.index_cast %sub3A_107 : i32 to index
        %get3A_109 = memref.load %arg3[%get3A_108] : memref<16xi32, #tpu.memory_space<smem>>
        %mul3A_110 = arith.constant 1024 : i32
        %mul3A_111 = arith.muli %select_n3A_105, %mul3A_110 : i32
        %mul3A_112 = arith.constant 1024 : i32
        %mul3A_113 = arith.muli %select_n3A_105, %mul3A_112 : i32
        %dma_start3A = tpu.memref_slice %arg13[%rem3A_82] : memref<4x!tpu.dma_semaphore, #tpu.memory_space<semaphore_mem>> -> memref<1x!tpu.dma_semaphore, #tpu.memory_space<semaphore_mem>>
        %dma_start3A_114 = tpu.memref_squeeze %dma_start3A : memref<1x!tpu.dma_semaphore, #tpu.memory_space<semaphore_mem>> -> memref<!tpu.dma_semaphore, #tpu.memory_space<semaphore_mem>>
        %dma_start3A_115 = arith.constant 0 : i32
        %dma_start3A_116 = arith.constant 0 : i32
        %dma_start3A_117 = tpu.memref_slice %arg11[%rem3A_82, %dma_start3A_115, %dma_start3A_116] : memref<4x1024x1024xf32, #tpu.memory_space<vmem>> -> memref<1x1024x1024xf32, #tpu.memory_space<vmem>>
        %dma_start3A_118 = tpu.memref_squeeze %dma_start3A_117 : memref<1x1024x1024xf32, #tpu.memory_space<vmem>> -> memref<1024x1024xf32, #tpu.memory_space<vmem>>
        %dma_start3A_119 = arith.constant 0 : i32
        %dma_start3A_120 = tpu.memref_slice %arg5[%get3A_109, %dma_start3A_119, %mul3A_111] : memref<8x1024x4096xf32, #tpu.memory_space<any>> -> memref<1x1024x1024xf32, #tpu.memory_space<any>>
        %dma_start3A_121 = tpu.memref_squeeze %dma_start3A_120 : memref<1x1024x1024xf32, #tpu.memory_space<any>> -> memref<1024x1024xf32, #tpu.memory_space<any>>
        tpu.enqueue_dma source(%dma_start3A_121 : memref<1024x1024xf32, #tpu.memory_space<any>>) target(%dma_start3A_118 : memref<1024x1024xf32, #tpu.memory_space<vmem>>) target_semaphore(%dma_start3A_114 : memref<!tpu.dma_semaphore, #tpu.memory_space<semaphore_mem>>)
        %dma_start3A_122 = tpu.memref_slice %arg13[%rem3A_82] : memref<4x!tpu.dma_semaphore, #tpu.memory_space<semaphore_mem>> -> memref<1x!tpu.dma_semaphore, #tpu.memory_space<semaphore_mem>>
        %dma_start3A_123 = tpu.memref_squeeze %dma_start3A_122 : memref<1x!tpu.dma_semaphore, #tpu.memory_space<semaphore_mem>> -> memref<!tpu.dma_semaphore, #tpu.memory_space<semaphore_mem>>
        %dma_start3A_124 = arith.constant 0 : i32
        %dma_start3A_125 = arith.constant 0 : i32
        %dma_start3A_126 = tpu.memref_slice %arg12[%rem3A_82, %dma_start3A_124, %dma_start3A_125] : memref<4x1024x1024xf32, #tpu.memory_space<vmem>> -> memref<1x1024x1024xf32, #tpu.memory_space<vmem>>
        %dma_start3A_127 = tpu.memref_squeeze %dma_start3A_126 : memref<1x1024x1024xf32, #tpu.memory_space<vmem>> -> memref<1024x1024xf32, #tpu.memory_space<vmem>>
        %dma_start3A_128 = arith.constant 0 : i32
        %dma_start3A_129 = tpu.memref_slice %arg7[%get3A_109, %mul3A_113, %dma_start3A_128] : memref<8x4096x1024xf32, #tpu.memory_space<any>> -> memref<1x1024x1024xf32, #tpu.memory_space<any>>
        %dma_start3A_130 = tpu.memref_squeeze %dma_start3A_129 : memref<1x1024x1024xf32, #tpu.memory_space<any>> -> memref<1024x1024xf32, #tpu.memory_space<any>>
        tpu.enqueue_dma source(%dma_start3A_130 : memref<1024x1024xf32, #tpu.memory_space<any>>) target(%dma_start3A_127 : memref<1024x1024xf32, #tpu.memory_space<vmem>>) target_semaphore(%dma_start3A_123 : memref<!tpu.dma_semaphore, #tpu.memory_space<semaphore_mem>>)
      } else {
      }
    } else {
    }
    %get3A_15 = arith.index_cast %arg1 : i32 to index
    %get3A_16 = arith.constant 2 : index
    %get3A_17 = memref.load %arg2[%get3A_15, %get3A_16] : memref<32x8xi32, #tpu.memory_space<smem>>
    %gt3A_18 = arith.constant 0 : i32
    %gt3A_19 = arith.cmpi sgt, %get3A_17, %gt3A_18 : i32
    %convert_element_type3A_20 = arith.extui %gt3A_19 : i1 to i32
    %cond3A_21 = arith.constant 0 : i32
    %cond3A_22 = arith.cmpi ne, %convert_element_type3A_20, %cond3A_21 : i32
    scf.if %cond3A_22 {
      %rem3A = arith.constant 4 : i32
      %rem3A_23 = arith.remsi %add3A, %rem3A : i32
      %get3A_24 = arith.index_cast %arg1 : i32 to index
      %get3A_25 = arith.constant 1 : index
      %get3A_26 = memref.load %arg2[%get3A_24, %get3A_25] : memref<32x8xi32, #tpu.memory_space<smem>>
      %mul3A_27 = arith.constant 128 : i32
      %mul3A_28 = arith.muli %get3A_26, %mul3A_27 : i32
      %get3A_29 = arith.index_cast %mul3A_28 : i32 to index
      %get3A_30 = arith.constant 0 : index
      %get3A_31 = vector.load %arg4[%get3A_29, %get3A_30] : memref<2944x1024xf32, #tpu.memory_space<vmem>>, vector<128x1024xf32>
      %get3A_32 = arith.index_cast %rem3A_23 : i32 to index
      %get3A_33 = arith.constant 0 : index
      %get3A_34 = arith.constant 0 : index
      %get3A_35 = vector.load %arg11[%get3A_32, %get3A_33, %get3A_34] : memref<4x1024x1024xf32, #tpu.memory_space<vmem>>, vector<1x1024x1024xf32>
      %get3A_36 = vector.shape_cast %get3A_35 : vector<1x1024x1024xf32> to vector<1024x1024xf32>
      %dot_general3A = arith.constant dense<0.000000e+00> : vector<128x1024xf32>
      %dot_general3A_37 = tpu.matmul %get3A_31, %get3A_36, %dot_general3A {dimension_numbers = #tpu.dot_dimension_numbers<[1], [0], [0], [1], [0, 0, 1, 1], [], []>, transpose_lhs_hint = false} : vector<128x1024xf32>, vector<1024x1024xf32>, vector<128x1024xf32> -> vector<128x1024xf32>
      %get3A_38 = arith.constant 0 : index
      %get3A_39 = arith.constant 0 : index
      %get3A_40 = arith.constant 0 : index
      %get3A_41 = arith.constant 0 : index
      %get3A_42 = vector.load %arg6[%get3A_38, %get3A_39, %get3A_40, %get3A_41] : memref<1x1x1x1024xf32, #tpu.memory_space<vmem>>, vector<1x1x1x1024xf32>
      %get3A_43 = vector.shape_cast %get3A_42 : vector<1x1x1x1024xf32> to vector<1x1024xf32>
      %add3A_44 = vector.broadcast %get3A_43 : vector<1x1024xf32> to vector<128x1024xf32>
      %add3A_45 = arith.addf %dot_general3A_37, %add3A_44 : vector<128x1024xf32>
      %max3A = arith.constant 0.000000e+00 : f32
      %max3A_46 = vector.broadcast %max3A : f32 to vector<128x1024xf32>
      %max3A_47 = arith.maximumf %add3A_45, %max3A_46 : vector<128x1024xf32>
      %get3A_48 = arith.index_cast %rem3A_23 : i32 to index
      %get3A_49 = arith.constant 0 : index
      %get3A_50 = arith.constant 0 : index
      %get3A_51 = vector.load %arg12[%get3A_48, %get3A_49, %get3A_50] : memref<4x1024x1024xf32, #tpu.memory_space<vmem>>, vector<1x1024x1024xf32>
      %get3A_52 = vector.shape_cast %get3A_51 : vector<1x1024x1024xf32> to vector<1024x1024xf32>
      %dot_general3A_53 = arith.constant dense<0.000000e+00> : vector<128x1024xf32>
      %dot_general3A_54 = tpu.matmul %max3A_47, %get3A_52, %dot_general3A_53 {dimension_numbers = #tpu.dot_dimension_numbers<[1], [0], [0], [1], [0, 0, 1, 1], [], []>, transpose_lhs_hint = false} : vector<128x1024xf32>, vector<1024x1024xf32>, vector<128x1024xf32> -> vector<128x1024xf32>
      %eq3A_55 = arith.constant 0 : i32
      %eq3A_56 = arith.cmpi eq, %arg0, %eq3A_55 : i32
      %convert_element_type3A_57 = arith.extui %eq3A_56 : i1 to i32
      %cond3A_58 = arith.constant 0 : i32
      %cond3A_59 = arith.cmpi ne, %convert_element_type3A_57, %cond3A_58 : i32
      scf.if %cond3A_59 {
        %swap3A = arith.index_cast %mul3A_28 : i32 to index
        %swap3A_70 = arith.constant 0 : index
        %swap3A_71 = vector.load %arg10[%swap3A, %swap3A_70] : memref<2944x1024xf32, #tpu.memory_space<vmem>>, vector<128x1024xf32>
        tpu.vector_store %arg10[%swap3A, %swap3A_70], %dot_general3A_54 {strides = array<i32>} : memref<2944x1024xf32, #tpu.memory_space<vmem>>, vector<128x1024xf32>,
      } else {
      }
      %gt3A_60 = arith.constant 0 : i32
      %gt3A_61 = arith.cmpi sgt, %arg0, %gt3A_60 : i32
      %convert_element_type3A_62 = arith.extui %gt3A_61 : i1 to i32
      %cond3A_63 = arith.constant 0 : i32
      %cond3A_64 = arith.cmpi ne, %convert_element_type3A_62, %cond3A_63 : i32
      scf.if %cond3A_64 {
        %get3A_70 = arith.index_cast %mul3A_28 : i32 to index
        %get3A_71 = arith.constant 0 : index
        %get3A_72 = vector.load %arg10[%get3A_70, %get3A_71] : memref<2944x1024xf32, #tpu.memory_space<vmem>>, vector<128x1024xf32>
        %add3A_73 = arith.addf %get3A_72, %dot_general3A_54 : vector<128x1024xf32>
        %swap3A = arith.index_cast %mul3A_28 : i32 to index
        %swap3A_74 = arith.constant 0 : index
        %swap3A_75 = vector.load %arg10[%swap3A, %swap3A_74] : memref<2944x1024xf32, #tpu.memory_space<vmem>>, vector<128x1024xf32>
        tpu.vector_store %arg10[%swap3A, %swap3A_74], %add3A_73 {strides = array<i32>} : memref<2944x1024xf32, #tpu.memory_space<vmem>>, vector<128x1024xf32>,
      } else {
      }
      %eq3A_65 = arith.constant 3 : i32
      %eq3A_66 = arith.cmpi eq, %arg0, %eq3A_65 : i32
      %convert_element_type3A_67 = arith.extui %eq3A_66 : i1 to i32
      %cond3A_68 = arith.constant 0 : i32
      %cond3A_69 = arith.cmpi ne, %convert_element_type3A_67, %cond3A_68 : i32
      scf.if %cond3A_69 {
        %get3A_70 = arith.index_cast %mul3A_28 : i32 to index
        %get3A_71 = arith.constant 0 : index
        %get3A_72 = vector.load %arg10[%get3A_70, %get3A_71] : memref<2944x1024xf32, #tpu.memory_space<vmem>>, vector<128x1024xf32>
        %get3A_73 = arith.constant 0 : index
        %get3A_74 = arith.constant 0 : index
        %get3A_75 = arith.constant 0 : index
        %get3A_76 = vector.load %arg8[%get3A_73, %get3A_74, %get3A_75] : memref<1x1x1024xf32, #tpu.memory_space<vmem>>, vector<1x1x1024xf32>
        %get3A_77 = vector.shape_cast %get3A_76 : vector<1x1x1024xf32> to vector<1x1024xf32>
        %add3A_78 = vector.broadcast %get3A_77 : vector<1x1024xf32> to vector<128x1024xf32>
        %add3A_79 = arith.addf %get3A_72, %add3A_78 : vector<128x1024xf32>
        %swap3A = arith.constant 0 : index
        %swap3A_80 = arith.constant 0 : index
        %swap3A_81 = vector.load %arg9[%swap3A, %swap3A_80] : memref<128x1024xf32, #tpu.memory_space<vmem>>, vector<128x1024xf32>
        tpu.vector_store %arg9[%swap3A, %swap3A_80], %add3A_79 {strides = array<i32>} : memref<128x1024xf32, #tpu.memory_space<vmem>>, vector<128x1024xf32>,
      } else {
      }
    } else {
    }
    return
  }
  func.func @transform_0(%arg0: i32, %arg1: i32, %arg2: memref<32x8xi32, #tpu.memory_space<smem>>, %arg3: memref<16xi32, #tpu.memory_space<smem>>) -> (i32, i32) {
    %c0_i32 = arith.constant 0 : i32
    %c0_i32_0 = arith.constant 0 : i32
    %c0_i32_1 = arith.constant 0 : i32
    return %c0_i32, %c0_i32_0 : i32, i32
  }
  func.func @transform_2(%arg0: i32, %arg1: i32, %arg2: memref<32x8xi32, #tpu.memory_space<smem>>, %arg3: memref<16xi32, #tpu.memory_space<smem>>) -> (i32, i32, i32, i32) {
    %get3A = arith.index_cast %arg1 : i32 to index
    %get3A_0 = arith.constant 0 : index
    %get3A_1 = memref.load %arg2[%get3A, %get3A_0] : memref<32x8xi32, #tpu.memory_space<smem>>
    %c0_i32 = arith.constant 0 : i32
    %c0_i32_2 = arith.constant 0 : i32
    %c0_i32_3 = arith.constant 0 : i32
    return %get3A_1, %arg0, %c0_i32, %c0_i32_2 : i32, i32, i32, i32
  }
  func.func @transform_4(%arg0: i32, %arg1: i32, %arg2: memref<32x8xi32, #tpu.memory_space<smem>>, %arg3: memref<16xi32, #tpu.memory_space<smem>>) -> (i32, i32, i32) {
    %get3A = arith.index_cast %arg1 : i32 to index
    %get3A_0 = arith.constant 0 : index
    %get3A_1 = memref.load %arg2[%get3A, %get3A_0] : memref<32x8xi32, #tpu.memory_space<smem>>
    %c0_i32 = arith.constant 0 : i32
    %c0_i32_2 = arith.constant 0 : i32
    %c0_i32_3 = arith.constant 0 : i32
    return %get3A_1, %c0_i32, %c0_i32_2 : i32, i32, i32
  }
  func.func @transform_5(%arg0: i32, %arg1: i32, %arg2: memref<32x8xi32, #tpu.memory_space<smem>>, %arg3: memref<16xi32, #tpu.memory_space<smem>>) -> (i32, i32) {
    %eq3A = arith.constant 3 : i32
    %eq3A_0 = arith.cmpi eq, %arg0, %eq3A : i32
    %get3A = arith.index_cast %arg1 : i32 to index
    %get3A_1 = arith.constant 1 : index
    %get3A_2 = memref.load %arg2[%get3A, %get3A_1] : memref<32x8xi32, #tpu.memory_space<smem>>
    %jit3A = arith.constant 0 : i32
    %select_n3A = arith.select %eq3A_0, %get3A_2, %jit3A : i32
    %c0_i32 = arith.constant 0 : i32
    %c0_i32_3 = arith.constant 0 : i32
    return %select_n3A, %c0_i32 : i32, i32
  }
}

</mosaic_0001>

<sc_bundles>
// kernel: kernel.6.cloned.1.call-start
scs
__scs_entry_jumppad:
0x0: {  	(pc) =	sbr.rel $0x88, $3  }
0x1: {  	(tag) =	ssettag $0x0;
	lr =	simm.s32 $0x1  }
0x2: {  	[smem:$0x3F9A] =	sst lr;
	_ =	strace $0xD0000000  }
0x3: {  	_ = 	snop  }
0x4: {  	_ = 	snop  }
0x5: {  	_ = 	snop  }
0x6: {  	_ = 	snop  }
0x7: {  	_ = 	snop  }
__scs_overlays_trampoline_lowered:
0x8: {  	[smem:$0x3FA9] =	sst s0  }
0x9: {  	[smem:$0x3FAA] =	sst s1  }
0xa: {  	[smem:$0x3FAB] =	sst s2  }
0xb: {  	[smem:$0x3FAC] =	sst s3  }
0xc: {  	[smem:$0x3FAD] =	sst s4  }
0xd: {  	[smem:$0x3FAE] =	sst s5  }
0xe: {  	[smem:$0x3FAF] =	sst s6  }
0xf: {  	[smem:$0x3FB0] =	sst s7  }
0x10: {  	[smem:$0x3FB1] =	sst s8  }
0x11: {  	[smem:$0x3FB2] =	sst s9;
	s0 =	simm.s32 @!p0 $0x0  }
0x12: {  	s1 =	sld [smem:$0x3F98];
	s0 =	simm.s32 @p0 $0x1  }
0x13: {  	[smem:$0x3FB3] =	sst s0;
	s0 =	simm.s32 @!p1 $0x0  }
0x14: {  	s2 =	sld [smem:$0x3F97];
	s0 =	simm.s32 @p1 $0x1  }
0x15: {  	[smem:$0x3FB4] =	sst s0;
	s0 =	simm.s32 @!p2 $0x0  }
0x16: {  	s3 =	sld [smem:$0x3FDB];
	s0 =	simm.s32 @p2 $0x1  }
0x17: {  	s4 =	simm.s32 $0x1BF5;
	[smem:$0x3FB6] =	sst s0  }
0x18: {  	s0 =	sld [smem:$0x3F99];
	_ =	swait.ge [sflag:s4], $0x0  }
0x19: {  	s7 =	sld [smem:$0x3F9A]  }
0x1a: {  	s8 =	sadd.s32 $0xFFFFE003, lr  }
0x1b: {  	s9 =	sadd.s32 $0xFFFFFEF7, lr;
	s5 =	simm.s32 $0xFFFFFFFF;
	p2 =	slt.u32 s8, $0xFFFFF086  }
0x1c: {  	p1 =	slt.u32 s9, $0xF7A;
	s5 =	simm.s32 @!p2 $0x0  }
0x1d: {  	s5 =	simm.s32 @p1 $0x1;
	p0 =	seq.s32 s7, s2  }
0x1e: {  	s7 =	smul.u32 @!p0 $0xF7A, s2;
	p2 =	seq.s32 @!p0 s5, $0x0  }
0x1f: {  	s9 =	smul.u32 $0xF7A, s1;
	s8 =	simm.s32 @!p0 $0x1BF5;
	p2 =	por !p2, p0  }
0x20: {  	[sflag:s8] =	ssyncset.s32 @!p0 $0xFFFFF086;
	s6 =	sadd.s32 @!p0 s3, s7;
	s7 =	simm.s32 @!p0 $0x108  }
0x21: {  	s3 =	sadd.s32 s3, s9;
	s6 =	sadd.s32 @!p0 $0x88, s6;
	s7 =	simm.s32 @p2 $0x1082  }
0x22: {  	[simem:s7], [sflag:s8] =	dma.local @!p0 [hbm:s6], $0xF7A  }
0x23: {  	s9 =	sor.u32 $0xD0000000, s2;
	s6 =	simm.s32 $0x108;
	_ =	swait.ge @!p0 [sflag:s8], $0x0  }
0x24: {  	s3 =	sadd.s32 $0x88, s3;
	s6 =	simm.s32 @!p1 $0x1082;
	[sflag:s4] =	ssyncset.s32 $0xFFFFF086  }
0x25: {  	[simem:s6], [sflag:s4] =	dma.local [hbm:s3], $0xF7A  }
0x26: {  	[smem:$0x3F9A] =	sst s1;
	(tag) =	ssettag s2;
	_ =	strace s9  }
0x27: {  	s1 =	sld [smem:$0x3FAA]  }
0x28: {  	s2 =	sld [smem:$0x3FAB]  }
0x29: {  	s4 =	sld [smem:$0x3FAD]  }
0x2a: {  	p0 =	seq.s32 s5, $0x0;
	s5 =	sld [smem:$0x3FAE]  }
0x2b: {  	s6 =	sld [smem:$0x3FAF]  }
0x2c: {  	s7 =	sld [smem:$0x3FB0]  }
0x2d: {  	s3 =	simm.s32 $0x108;
	s8 =	sld [smem:$0x3FB1]  }
0x2e: {  	s3 =	simm.s32 @!p0 $0x1082;
	s9 =	sld [smem:$0x3FB2]  }
0x2f: {  	lr =	sadd.s32 s0, s3;
	s0 =	sld [smem:$0x3FA9]  }
0x30: {  	s3 =	sld [smem:$0x3FAC]  }
0x31: {  	[smem:$0x3FB5] =	sst s10  }
0x32: {  	s10 =	sld [smem:$0x3FB3];
	_ =	sdelay $0x3  }
0x33: {  	p0 =	seq.s32 s10, $0x1;
	s10 =	sld [smem:$0x3FB5];
	_ =	sdelay $0x3  }
0x34: {  	[smem:$0x3FB5] =	sst s10  }
0x35: {  	s10 =	sld [smem:$0x3FB4];
	_ =	sdelay $0x3  }
0x36: {  	p1 =	seq.s32 s10, $0x1;
	s10 =	sld [smem:$0x3FB5];
	_ =	sdelay $0x3  }
0x37: {  	[smem:$0x3FB5] =	sst s10  }
0x38: {  	s10 =	sld [smem:$0x3FB6]  }
0x39: {  	_ = 	snop;
	(pc) =	sbr.ind lr, $3  }
0x3a: {  	_ = 	snop  }
0x3b: {  	_ = 	snop  }
0x3c: {  	p2 =	seq.s32 s10, $0x1;
	s10 =	sld [smem:$0x3FB5]  }
0x3d: {  	_ =	shalt  }
0x3e: {  	_ =	shalt  }
0x3f: {  	_ =	shalt  }
0x40: {  	_ =	shalt  }
0x41: {  	_ =	shalt  }
0x42: {  	_ =	shalt  }
0x43: {  	_ =	shalt  }
0x44: {  	_ =	shalt  }
0x45: {  	_ =	shalt  }
0x46: {  	_ =	shalt  }
0x47: {  	_ =	shalt  }
0x48: {  	_ =	shalt  }
0x49: {  	_ =	shalt  }
0x4a: {  	_ =	shalt  }
0x4b: {  	_ =	shalt  }
0x4c: {  	_ =	shalt  }
0x4d: {  	_ =	shalt  }
0x4e: {  	_ =	shalt  }
0x4f: {  	_ =	shalt  }
0x50: {  	_ =	shalt  }
0x51: {  	_ =	shalt  }
0x52: {  	_ =	shalt  }
0x53: {  	_ =	shalt  }
0x54: {  	_ =	shalt  }
0x55: {  	_ =	shalt  }
0x56: {  	_ =	shalt  }
0x57: {  	_ =	shalt  }
0x58: {  	_ =	shalt  }
0x59: {  	_ =	shalt  }
0x5a: {  	_ =	shalt  }
0x5b: {  	_ =	shalt  }
0x5c: {  	_ =	shalt  }
0x5d: {  	_ =	shalt  }
0x5e: {  	_ =	shalt  }
0x5f: {  	_ =	shalt  }
0x60: {  	_ =	shalt  }
0x61: {  	_ =	shalt  }
0x62: {  	_ =	shalt  }
0x63: {  	_ =	shalt  }
0x64: {  	_ =	shalt  }
0x65: {  	_ =	shalt  }
0x66: {  	_ =	shalt  }
0x67: {  	_ =	shalt  }
0x68: {  	_ =	shalt  }
0x69: {  	_ =	shalt  }
0x6a: {  	_ =	shalt  }
0x6b: {  	_ =	shalt  }
0x6c: {  	_ =	shalt  }
0x6d: {  	_ =	shalt  }
0x6e: {  	_ =	shalt  }
0x6f: {  	_ =	shalt  }
0x70: {  	_ =	shalt  }
0x71: {  	_ =	shalt  }
0x72: {  	_ =	shalt  }
0x73: {  	_ =	shalt  }
0x74: {  	_ =	shalt  }
0x75: {  	_ =	shalt  }
0x76: {  	_ =	shalt  }
0x77: {  	_ =	shalt  }
0x78: {  	_ =	shalt  }
0x79: {  	_ =	shalt  }
0x7a: {  	_ =	shalt  }
0x7b: {  	_ =	shalt  }
0x7c: {  	_ =	shalt  }
0x7d: {  	_ =	shalt  }
0x7e: {  	_ =	shalt  }
0x7f: {  	_ =	shalt  }
0x80: {  	_ =	shalt  }
0x81: {  	_ =	shalt  }
0x82: {  	_ =	shalt  }
0x83: {  	_ =	shalt  }
0x84: {  	_ =	shalt  }
0x85: {  	_ =	shalt  }
0x86: {  	_ =	shalt  }
0x87: {  	_ =	shalt  }
.Lfunc_end0:
.L_simem_size_0:
called_computation_lowered:
.L_overlay_start_0:
0x88: {  	s2 =	sld [smem:$0x3FD9]  }
0x89: {  	s3 =	sld [smem:$0x3FFE];
	_ =	sdelay $0x1  }
0x8a: {  	s1 =	srdreg.scid  }
0x8b: {  	s0 =	sand.u32 $0x1, s1  }
0x8c: {  	s17 =	sshll.u32 s0, $0xA;
	s2 =	sadd.s32 s3, s2  }
0x8d: {  	s2 =	sadd.s32 s2, s17  }
0x8e: {  	[smem:$0x3FC1] =	sst s2  }
0x8f: {  	_ = 	snop  }
0x90: {  	s2 =	sld [smem:$0x3FC9];
	(tm) =	ssettm $0x1  }
0x91: {  	s18 =	sld [smem:$0x3FFB];
	_ =	sdelay $0x3  }
0x92: {  	_ =	strace s18  }
0x93: {  	s3 =	sld [smem:$0x3FFC];
	_ =	sdelay $0x3  }
0x94: {  	_ =	strace s3  }
0x95: {  	s3 =	sld [smem:$0x3FFD];
	_ =	sdelay $0x3  }
0x96: {  	_ =	strace s3  }
0x97: {  	_ =	strace $0x8FFFFFFF  }
0x98: {  	s19 =	sld [smem:$0x3FDB];
	_ =	sdelay $0x1  }
0x99: {  	s4 =	simm.s32 $_scs_section_size  }
0x9a: {  	s5 =	simm.s32 $_size__tile_overlayer_lowered;
	s6 =	simm.s32 $_tile_overlayer_lowered  }
0x9b: {  	s22 =	simm.s32 $0x1BFF;
	s21 =	sshll.u32 s6, $0x1;
	s3 =	sadd.s32 s4, s19  }
0x9c: {  	s7 =	simm.s32 $0x0;
	s20 =	sshll.u32 s5, $0x1;
	s5 =	sadd.s32 s21, s3  }
0x9d: {  	[timem:s7], [sflag:s22] =	dma.local [hbm:s5], s20  }
0x9e: {  	_ =	swait.ge [sflag:s22], s20  }
0x9f: {  	s4 =	ssub.s32 $0x0, s20;
	[sflag:s22] =	ssyncset.done $0x0  }
0xa0: {  	[sflag:s22] =	ssyncadd.s32 s4;
	_ =	sdelay $0x1  }
0xa1: {  	s23 =	simm.s32 $0x1B8B  }
0xa2: {  	_ =	swait.ge [sflag:s23], $0x1  }
0xa3: {  	[sflag:s23] =	ssyncset.done $0x0  }
0xa4: {  	s25 =	simm.s32 $0x1B8E;
	s24 =	sld [smem:$0x3FFE];
	[sflag:s23] =	ssyncadd.s32 $0xFFFFFFFF  }
0xa5: {  	s26 =	simm.s32 $execute0_lowered;
	[smem:$0x3FD2] =	sst s25  }
0xa6: {  	s5 =	sshll.u32 s26, $0x1;
	_ =	strace $0x80000046;
	[dreg:$0x1] =	wrdreg $0xFFFFFFFF  }
0xa7: {  	s28 =	simm.s32 $_size_execute0_lowered;
	s3 =	sadd.s32 s3, s5;
	[dreg:$0x0] =	wrdreg $0x0  }
0xa8: {  	s5 =	sshll.u32 s28, $0x1;
	[dreg:$0x2] =	wrdreg s3  }
0xa9: {  	[dreg:$0x3] =	wrdreg s5  }
0xaa: {  	[dreg:$0x4] =	wrdreg $0xC0  }
0xab: {  	_ =	task [dreg:s7], $0x5FFFF  }
0xac: {  	[dreg:$0x1] =	wrdreg $0xFFFFFFFF  }
0xad: {  	[dreg:$0x0] =	wrdreg $0x60  }
0xae: {  	[dreg:$0x2] =	wrdreg s2  }
0xaf: {  	[dreg:$0x3] =	wrdreg s24  }
0xb0: {  	[dreg:$0x4] =	wrdreg $0x9  }
0xb1: {  	_ =	task.clear_ibuf [dreg:s7], $0x5FFFF;
	_ =	strace $0x90000046  }
0xb2: {  	s29 =	simm.s32 $0x9;
	_ =	strace $0x80000048  }
0xb3: {  	_ =	swait.ge [sflag:s29], $0x1  }
0xb4: {  	[sflag:s29] =	ssyncadd.s32 $0xFFFFFFFF  }
0xb5: {  	_ =	strace $0x90000048  }
0xb6: {  	_ =	sfence  }
0xb7: {  	s30 =	sld [smem:$0x0];
	_ =	sdelay $0x2  }
0xb8: {  	s31 =	sshll.u32 s1, $0xD;
	s1 =	sshrl.u32 s1, $0x2  }
0xb9: {  	s3 =	sand.u32 $0x4000, s31;
	s1 =	sadd.s32 s1, s30  }
0xba: {  	s0 =	sor.u32 s3, s0;
	s1 =	sshll.u32 s1, $0x11  }
0xbb: {  	s0 =	sor.u32 s1, s0  }
0xbc: {  	s0 =	sadd.s32 $0x8F2B, s0  }
0xbd: {  	[sflag:s0] =	ssyncadd.remote.s32 $0x1  }
0xbe: {  	_ =	sfence.sel $0xFFFF  }
0xbf: {  	[dreg:$0x0] =	wrdreg $0xFFFFFFFF;
	(pc) =	sbr.abs _section_cstart, $3  }
0xc0: {  	[dreg:$0x1] =	wrdreg $0xFFFFFFFF  }
0xc1: {  	_ =	task.clear_ibuf [dreg:s7], $0x2FFFF;
	_ =	strace $0x9FFFFFFF  }
0xc2: {  	(tm) =	ssettm $0x7FFFFFFF  }
0xc3: {  	_ =	shalt  }
tec
execute0_lowered:
.L_overlay_start_1:
0x0: {  	(tag) =	ssettag $0x1  }
0x1: {  	s1 =	srdreg.scid  }
0x2: {  	s0 =	stileid.u32;
	s3 =	rddreg [dreg:$0x0]  }
0x3: {  	s6 =	rddreg [dreg:$0x1];
	s18 =	simm.s32 $0x880;
	s19 =	simm.s32 $0x1080  }
0x4: {  	s20 =	simm.s32 $0x1880;
	s22 =	simm.s32 $0x2080;
	s23 =	simm.s32 $0x2880  }
0x5: {  	s7 =	simm.s32 $0x3080;
	s24 =	simm.s32 $0x3880;
	s8 =	simm.s32 $0x4080  }
0x6: {  	s25 =	simm.s32 $0x4880;
	s26 =	simm.s32 $0x5080;
	s1 =	sand.u32 $0x1, s1  }
0x7: {  	s9 =	simm.s32 $0x80;
	s2 =	sshll.u32 s0, $0x7;
	s4 =	sshll.u32 s1, $0x6  }
0x8: {  	s11 =	simm.s32 $0x6080;
	s4 =	sor.u32 s4, s2;
	s2 =	simm.s32 $0x0  }
0x9: {  	s12 =	simm.s32 $0x6880;
	s13 =	simm.s32 $0x7080;
	[smem:$0x7FF] =	sst s2  }
0xa: {  	s14 =	simm.s32 $0x7880;
	_ =	strace $0x80000047;
	[dreg:$0x5] =	wrdreg s18  }
0xb: {  	s15 =	simm.s32 $0x8080;
	s16 =	simm.s32 $0x8880;
	[dreg:$0x6] =	wrdreg s19  }
0xc: {  	s17 =	simm.s32 $0x9080;
	s28 =	simm.s32 $0xE080;
	[dreg:$0x7] =	wrdreg s20  }
0xd: {  	s29 =	simm.s32 $0xE880;
	s30 =	simm.s32 $0xF080;
	[dreg:$0x8] =	wrdreg s22  }
0xe: {  	s31 =	simm.s32 $0xF880;
	s1 =	ssub.s32 $0x2, s1;
	[dreg:$0x9] =	wrdreg s23  }
0xf: {  	s21 =	sshrl.u32 s1, $0x1;
	s5 =	sshrl.u32 s4, $0x3;
	[dreg:$0xa] =	wrdreg s7  }
0x10: {  	s4 =	sshll.u32 s4, $0x7;
	s1 =	ssub.s32 s1, s21;
	[dreg:$0xb] =	wrdreg s24  }
0x11: {  	s21 =	simm.s32 $0xB080;
	s5 =	sadd.s32 s5, s6;
	[dreg:$0xc] =	wrdreg s8  }
0x12: {  	s3 =	sadd.s32 s3, s4;
	s4 =	sadd.s32 $0xF00, s6;
	[dreg:$0xd] =	wrdreg s25  }
0x13: {  	s7 =	smax.u32 s1, $0x1;
	s8 =	simm.s32 $0x2;
	[dreg:$0xe] =	wrdreg s26  }
0x14: {  	s18 =	simm.s32 $0x9880;
	s19 =	simm.s32 $0xA080;
	s20 =	simm.s32 $0xA880  }
0x15: {  	s22 =	simm.s32 $0xB880;
	s23 =	simm.s32 $0xC080;
	s24 =	simm.s32 $0xC880  }
0x16: {  	v2 =	vlaneseq.u32;
	s25 =	simm.s32 $0xD080;
	s26 =	simm.s32 $0xD880;
	s1 =	simm.s32 $0x1  }
0x17: {  	vm0 =	vmmov $0xffff;
	v1 =	vshrl.u32 v2, $0x3;
	s5 =	sadd.s32 $0xC00, s5;
	[dreg:$0x4] =	wrdreg s3;
	s3 =	sadd.s32 $0xE00, s6  }
0x18: {  	v0 =	vand.u32 $0x7, v2;
	v2 =	vor.u32 $0x8, v2;
	v1 =	vmul.u32 $0x8, v1;
	[dreg:$0x3] =	wrdreg s5;
	s5 =	sadd.s32 $0x1000, s6;
	s6 =	sadd.s32 $0x1100, s6  }
.LBB2_1:
0x19: {  	s0 =	rddreg [dreg:$0x3]  }
0x1a: {  	[tilespmem:s2], [sflag:$0x2] =	stream.linear.gather [hbm4b:s0+s2], $0x40, $0x38;
	[tilespmem:$0x10080] =	vst v63  }
0x1b: {  	_ =	swait.ge [sflag:s8], $0x40  }
0x1c: {  	[sflag:s8] =	ssyncset.done $0x0  }
0x1d: {  	s10 =	rddreg [dreg:$0x4];
	[sflag:s8] =	ssyncadd.s32 $0xFFFFFFC0  }
0x1e: {  	[tilespmem:s9], [sflag:$0x2] =	stream.linear.gather [hbm4b:s10+s2], $0x10000, $0x38;
	[tilespmem:$0x10080] =	vst v63  }
0x1f: {  	_ =	swait.ge [sflag:s8], $0x10000  }
0x20: {  	[sflag:s8] =	ssyncset.done $0x0  }
0x21: {  	[sflag:s8] =	ssyncadd.s32 $0xFFFF0000  }
0x22: {  	v3 =	vld [tilespmem:$0x0];
	_ =	sdelay $0x4  }
0x23: {  	v4 =	vshll.u32 v3, $0x3  }
0x24: {  	v3 =	vand.u32 $0x7, v3;
	v4 =	vand.u32 $0xFFFFFFC0, v4  }
0x25: {  	v3 =	vor.u32 v3, v4  }
0x26: {  	v4 =	vperm.xlane v3, v0;
	_ =	sdelay $0x1  }
0x27: {  	v4 =	vadd.s32 v1, v4;
	_ =	sdelay $0x4  }
0x28: {  	[hbm4b:s3+s2] =	stream.indirect_vreg.scatter [tilespmem:s9], [sflag:$0x1], $0x80, v4, vm0, $0xb8;
	[tilespmem:$0x10080] =	vst v63  }
0x29: {  	s0 =	rddreg [dreg:$0x5];
	v3 =	vperm.xlane v3, v2  }
0x2a: {  	[hbm4b:s4+s2] =	stream.indirect_vreg.scatter [tilespmem:s0], [sflag:$0x1], $0x80, v4, vm0, $0xb8;
	[tilespmem:$0x10080] =	vst v63  }
0x2b: {  	s10 =	rddreg [dreg:$0x6];
	v3 =	vadd.s32 v1, v3  }
0x2c: {  	[hbm4b:s5+s2] =	stream.indirect_vreg.scatter [tilespmem:s10], [sflag:$0x1], $0x80, v4, vm0, $0xb8;
	[tilespmem:$0x10080] =	vst v63  }
0x2d: {  	s0 =	rddreg [dreg:$0x7]  }
0x2e: {  	[hbm4b:s6+s2] =	stream.indirect_vreg.scatter [tilespmem:s0], [sflag:$0x1], $0x80, v4, vm0, $0xb8;
	[tilespmem:$0x10080] =	vst v63  }
0x2f: {  	s10 =	rddreg [dreg:$0x8]  }
0x30: {  	[hbm4b:s3+s2] =	stream.indirect_vreg.scatter [tilespmem:s10], [sflag:$0x1], $0x80, v3, vm0, $0xb8;
	[tilespmem:$0x10080] =	vst v63  }
0x31: {  	s0 =	rddreg [dreg:$0x9]  }
0x32: {  	[hbm4b:s4+s2] =	stream.indirect_vreg.scatter [tilespmem:s0], [sflag:$0x1], $0x80, v3, vm0, $0xb8;
	[tilespmem:$0x10080] =	vst v63  }
0x33: {  	s10 =	rddreg [dreg:$0xa]  }
0x34: {  	[hbm4b:s5+s2] =	stream.indirect_vreg.scatter [tilespmem:s10], [sflag:$0x1], $0x80, v3, vm0, $0xb8;
	[tilespmem:$0x10080] =	vst v63  }
0x35: {  	s0 =	rddreg [dreg:$0xb]  }
0x36: {  	[hbm4b:s6+s2] =	stream.indirect_vreg.scatter [tilespmem:s0], [sflag:$0x1], $0x80, v3, vm0, $0xb8;
	[tilespmem:$0x10080] =	vst v63  }
0x37: {  	v3 =	vld [tilespmem:$0x10];
	_ =	sdelay $0x4  }
0x38: {  	v61 =	vshll.u32 v3, $0x3  }
0x39: {  	v3 =	vand.u32 $0x7, v3;
	v4 =	vand.u32 $0xFFFFFFC0, v61  }
0x3a: {  	v3 =	vor.u32 v3, v4  }
0x3b: {  	v4 =	vperm.xlane v3, v0;
	_ =	sdelay $0x1  }
0x3c: {  	v4 =	vadd.s32 v1, v4;
	_ =	sdelay $0x3  }
0x3d: {  	s0 =	rddreg [dreg:$0xc]  }
0x3e: {  	[hbm4b:s3+s2] =	stream.indirect_vreg.scatter [tilespmem:s0], [sflag:$0x1], $0x80, v4, vm0, $0xb8;
	[tilespmem:$0x10080] =	vst v63  }
0x3f: {  	s10 =	rddreg [dreg:$0xd];
	v3 =	vperm.xlane v3, v2  }
0x40: {  	[hbm4b:s4+s2] =	stream.indirect_vreg.scatter [tilespmem:s10], [sflag:$0x1], $0x80, v4, vm0, $0xb8;
	[tilespmem:$0x10080] =	vst v63  }
0x41: {  	v3 =	vadd.s32 v1, v3;
	s0 =	rddreg [dreg:$0xe]  }
0x42: {  	[hbm4b:s5+s2] =	stream.indirect_vreg.scatter [tilespmem:s0], [sflag:$0x1], $0x80, v4, vm0, $0xb8;
	[tilespmem:$0x10080] =	vst v63  }
0x43: {  	s10 =	simm.s32 $0x5880  }
0x44: {  	[hbm4b:s6+s2] =	stream.indirect_vreg.scatter [tilespmem:s10], [sflag:$0x1], $0x80, v4, vm0, $0xb8;
	[tilespmem:$0x10080] =	vst v63  }
0x45: {  	_ = 	snop  }
0x46: {  	[hbm4b:s3+s2] =	stream.indirect_vreg.scatter [tilespmem:s11], [sflag:$0x1], $0x80, v3, vm0, $0xb8;
	[tilespmem:$0x10080] =	vst v63  }
0x47: {  	_ = 	snop  }
0x48: {  	[hbm4b:s4+s2] =	stream.indirect_vreg.scatter [tilespmem:s12], [sflag:$0x1], $0x80, v3, vm0, $0xb8;
	[tilespmem:$0x10080] =	vst v63  }
0x49: {  	_ = 	snop  }
0x4a: {  	[hbm4b:s5+s2] =	stream.indirect_vreg.scatter [tilespmem:s13], [sflag:$0x1], $0x80, v3, vm0, $0xb8;
	[tilespmem:$0x10080] =	vst v63  }
0x4b: {  	_ = 	snop  }
0x4c: {  	[hbm4b:s6+s2] =	stream.indirect_vreg.scatter [tilespmem:s14], [sflag:$0x1], $0x80, v3, vm0, $0xb8;
	[tilespmem:$0x10080] =	vst v63  }
0x4d: {  	v3 =	vld [tilespmem:$0x20];
	_ =	sdelay $0x4  }
0x4e: {  	v62 =	vshll.u32 v3, $0x3  }
0x4f: {  	v3 =	vand.u32 $0x7, v3;
	v4 =	vand.u32 $0xFFFFFFC0, v62  }
0x50: {  	v3 =	vor.u32 v3, v4  }
0x51: {  	v4 =	vperm.xlane v3, v0;
	_ =	sdelay $0x1  }
0x52: {  	v4 =	vadd.s32 v1, v4;
	_ =	sdelay $0x4  }
0x53: {  	[hbm4b:s3+s2] =	stream.indirect_vreg.scatter [tilespmem:s15], [sflag:$0x1], $0x80, v4, vm0, $0xb8;
	[tilespmem:$0x10080] =	vst v63  }
0x54: {  	v3 =	vperm.xlane v3, v2  }
0x55: {  	[hbm4b:s4+s2] =	stream.indirect_vreg.scatter [tilespmem:s16], [sflag:$0x1], $0x80, v4, vm0, $0xb8;
	[tilespmem:$0x10080] =	vst v63  }
0x56: {  	v3 =	vadd.s32 v1, v3  }
0x57: {  	[hbm4b:s5+s2] =	stream.indirect_vreg.scatter [tilespmem:s17], [sflag:$0x1], $0x80, v4, vm0, $0xb8;
	[tilespmem:$0x10080] =	vst v63  }
0x58: {  	_ = 	snop  }
0x59: {  	[hbm4b:s6+s2] =	stream.indirect_vreg.scatter [tilespmem:s18], [sflag:$0x1], $0x80, v4, vm0, $0xb8;
	[tilespmem:$0x10080] =	vst v63  }
0x5a: {  	_ = 	snop  }
0x5b: {  	[hbm4b:s3+s2] =	stream.indirect_vreg.scatter [tilespmem:s19], [sflag:$0x1], $0x80, v3, vm0, $0xb8;
	[tilespmem:$0x10080] =	vst v63  }
0x5c: {  	_ = 	snop  }
0x5d: {  	[hbm4b:s4+s2] =	stream.indirect_vreg.scatter [tilespmem:s20], [sflag:$0x1], $0x80, v3, vm0, $0xb8;
	[tilespmem:$0x10080] =	vst v63  }
0x5e: {  	_ = 	snop  }
0x5f: {  	[hbm4b:s5+s2] =	stream.indirect_vreg.scatter [tilespmem:s21], [sflag:$0x1], $0x80, v3, vm0, $0xb8;
	[tilespmem:$0x10080] =	vst v63  }
0x60: {  	_ = 	snop  }
0x61: {  	[hbm4b:s6+s2] =	stream.indirect_vreg.scatter [tilespmem:s22], [sflag:$0x1], $0x80, v3, vm0, $0xb8;
	[tilespmem:$0x10080] =	vst v63  }
0x62: {  	v3 =	vld [tilespmem:$0x30];
	_ =	sdelay $0x4  }
0x63: {  	v63 =	vshll.u32 v3, $0x3  }
0x64: {  	v3 =	vand.u32 $0x7, v3;
	v4 =	vand.u32 $0xFFFFFFC0, v63  }
0x65: {  	v3 =	vor.u32 v3, v4  }
0x66: {  	v4 =	vperm.xlane v3, v0;
	_ =	sdelay $0x1  }
0x67: {  	v4 =	vadd.s32 v1, v4;
	_ =	sdelay $0x4  }
0x68: {  	[hbm4b:s3+s2] =	stream.indirect_vreg.scatter [tilespmem:s23], [sflag:$0x1], $0x80, v4, vm0, $0xb8;
	[tilespmem:$0x10080] =	vst v63  }
0x69: {  	v3 =	vperm.xlane v3, v2  }
0x6a: {  	[hbm4b:s4+s2] =	stream.indirect_vreg.scatter [tilespmem:s24], [sflag:$0x1], $0x80, v4, vm0, $0xb8;
	[tilespmem:$0x10080] =	vst v63  }
0x6b: {  	v3 =	vadd.s32 v1, v3  }
0x6c: {  	[hbm4b:s5+s2] =	stream.indirect_vreg.scatter [tilespmem:s25], [sflag:$0x1], $0x80, v4, vm0, $0xb8;
	[tilespmem:$0x10080] =	vst v63  }
0x6d: {  	_ = 	snop  }
0x6e: {  	[hbm4b:s6+s2] =	stream.indirect_vreg.scatter [tilespmem:s26], [sflag:$0x1], $0x80, v4, vm0, $0xb8;
	[tilespmem:$0x10080] =	vst v63  }
0x6f: {  	_ = 	snop  }
0x70: {  	[hbm4b:s3+s2] =	stream.indirect_vreg.scatter [tilespmem:s28], [sflag:$0x1], $0x80, v3, vm0, $0xb8;
	[tilespmem:$0x10080] =	vst v63  }
0x71: {  	_ = 	snop  }
0x72: {  	[hbm4b:s4+s2] =	stream.indirect_vreg.scatter [tilespmem:s29], [sflag:$0x1], $0x80, v3, vm0, $0xb8;
	[tilespmem:$0x10080] =	vst v63  }
0x73: {  	p0 =	sne.s32 s7, $0x1  }
0x74: {  	[hbm4b:s5+s2] =	stream.indirect_vreg.scatter [tilespmem:s30], [sflag:$0x1], $0x80, v3, vm0, $0xb8;
	[tilespmem:$0x10080] =	vst v63  }
.Ltmp0:
0x75: {  	_ = 	snop;
	(pc) =	sbr.rel @p0 .LBB2_1-.Ltmp0, $4  }
0x76: {  	[hbm4b:s6+s2] =	stream.indirect_vreg.scatter [tilespmem:s31], [sflag:$0x1], $0x80, v3, vm0, $0xb8;
	[tilespmem:$0x10080] =	vst v63  }
0x77: {  	_ =	swait.ge [sflag:s1], $0x10000  }
0x78: {  	[sflag:s1] =	ssyncset.done $0x0  }
0x79: {  	s7 =	sadd.s32 $0xFFFFFFFF, s7;
	[sflag:s1] =	ssyncadd.s32 $0xFFFF0000  }
0x7a: {  	_ =	sfence.sel $0x180000  }
0x7b: {  	[bflag:$0x0] =	sbarrier.arrive $0xFFFF  }
0x7c: {  	_ =	strace $0x90000047  }
0x7d: {  	s0 =	stileid.u32;
	[bflag:$0x2] =	sbarrier.arrive $0xFFFF  }
0x7e: {  	p0 =	sne.s32 s0, $0x0;
	s0 =	rddreg [dreg:$0x2]  }
0x7f: {  	s0 =	sadd.s32 @!p0 $0x100000, s0  }
0x80: {  	[sflag:s0] =	ssyncadd.tile.s32 @!p0 $0x1;
	_ =	shalt  }
.Lfunc_end2:
_tile_overlayer_lowered:
.L_overlay_start_2:
0x81: {  	(tag) =	ssettag $0x2  }
0x82: {  	s0 =	rddreg [dreg:$0x0];
	s2 =	stileid.u32  }
0x83: {  	s1 =	rddreg [dreg:$0x1];
	p0 =	sne.s32 s2, $0x0  }
0x84: {  	s3 =	rddreg [dreg:$0x2];
	[bflag:$0x3] =	sbarrier.arrive $0xFFFF;
	s2 =	simm.s32 @!p0 $0x1C02  }
0x85: {  	[timem:s3], [sflag:s2] =	dma.local @!p0 [hbm:s0], s1  }
0x86: {  	s0 =	simm.s32 @!p0 $0x2  }
0x87: {  	_ =	swait.ge @!p0 [sflag:s0], s1  }
0x88: {  	s1 =	ssub.s32 @!p0 $0x0, s1;
	[sflag:s0] =	ssyncset.done @!p0 $0x0  }
0x89: {  	[sflag:s0] =	ssyncadd.s32 @!p0 s1  }
0x8a: {  	[bflag:$0x3] =	sbarrier.arrive $0xFFFF  }
0x8b: {  	_ =	shalt  }

// kernel: kernel.9.cloned.1.call-start
scs
__scs_entry_jumppad:
0x0: {  	(pc) =	sbr.rel $0x88, $3  }
0x1: {  	(tag) =	ssettag $0x0;
	lr =	simm.s32 $0x1  }
0x2: {  	[smem:$0x3F9A] =	sst lr;
	_ =	strace $0xD0000000  }
0x3: {  	_ = 	snop  }
0x4: {  	_ = 	snop  }
0x5: {  	_ = 	snop  }
0x6: {  	_ = 	snop  }
0x7: {  	_ = 	snop  }
__scs_overlays_trampoline_lowered:
0x8: {  	[smem:$0x3FA9] =	sst s0  }
0x9: {  	[smem:$0x3FAA] =	sst s1  }
0xa: {  	[smem:$0x3FAB] =	sst s2  }
0xb: {  	[smem:$0x3FAC] =	sst s3  }
0xc: {  	[smem:$0x3FAD] =	sst s4  }
0xd: {  	[smem:$0x3FAE] =	sst s5  }
0xe: {  	[smem:$0x3FAF] =	sst s6  }
0xf: {  	[smem:$0x3FB0] =	sst s7  }
0x10: {  	[smem:$0x3FB1] =	sst s8  }
0x11: {  	[smem:$0x3FB2] =	sst s9;
	s0 =	simm.s32 @!p0 $0x0  }
0x12: {  	s1 =	sld [smem:$0x3F98];
	s0 =	simm.s32 @p0 $0x1  }
0x13: {  	[smem:$0x3FB3] =	sst s0;
	s0 =	simm.s32 @!p1 $0x0  }
0x14: {  	s2 =	sld [smem:$0x3F97];
	s0 =	simm.s32 @p1 $0x1  }
0x15: {  	[smem:$0x3FB4] =	sst s0;
	s0 =	simm.s32 @!p2 $0x0  }
0x16: {  	s3 =	sld [smem:$0x3FDB];
	s0 =	simm.s32 @p2 $0x1  }
0x17: {  	s4 =	simm.s32 $0x1BF5;
	[smem:$0x3FB6] =	sst s0  }
0x18: {  	s0 =	sld [smem:$0x3F99];
	_ =	swait.ge [sflag:s4], $0x0  }
0x19: {  	s7 =	sld [smem:$0x3F9A]  }
0x1a: {  	s8 =	sadd.s32 $0xFFFFE003, lr  }
0x1b: {  	s9 =	sadd.s32 $0xFFFFFEF7, lr;
	s5 =	simm.s32 $0xFFFFFFFF;
	p2 =	slt.u32 s8, $0xFFFFF086  }
0x1c: {  	p1 =	slt.u32 s9, $0xF7A;
	s5 =	simm.s32 @!p2 $0x0  }
0x1d: {  	s5 =	simm.s32 @p1 $0x1;
	p0 =	seq.s32 s7, s2  }
0x1e: {  	s7 =	smul.u32 @!p0 $0xF7A, s2;
	p2 =	seq.s32 @!p0 s5, $0x0  }
0x1f: {  	s9 =	smul.u32 $0xF7A, s1;
	s8 =	simm.s32 @!p0 $0x1BF5;
	p2 =	por !p2, p0  }
0x20: {  	[sflag:s8] =	ssyncset.s32 @!p0 $0xFFFFF086;
	s6 =	sadd.s32 @!p0 s3, s7;
	s7 =	simm.s32 @!p0 $0x108  }
0x21: {  	s3 =	sadd.s32 s3, s9;
	s6 =	sadd.s32 @!p0 $0x88, s6;
	s7 =	simm.s32 @p2 $0x1082  }
0x22: {  	[simem:s7], [sflag:s8] =	dma.local @!p0 [hbm:s6], $0xF7A  }
0x23: {  	s9 =	sor.u32 $0xD0000000, s2;
	s6 =	simm.s32 $0x108;
	_ =	swait.ge @!p0 [sflag:s8], $0x0  }
0x24: {  	s3 =	sadd.s32 $0x88, s3;
	s6 =	simm.s32 @!p1 $0x1082;
	[sflag:s4] =	ssyncset.s32 $0xFFFFF086  }
0x25: {  	[simem:s6], [sflag:s4] =	dma.local [hbm:s3], $0xF7A  }
0x26: {  	[smem:$0x3F9A] =	sst s1;
	(tag) =	ssettag s2;
	_ =	strace s9  }
0x27: {  	s1 =	sld [smem:$0x3FAA]  }
0x28: {  	s2 =	sld [smem:$0x3FAB]  }
0x29: {  	s4 =	sld [smem:$0x3FAD]  }
0x2a: {  	p0 =	seq.s32 s5, $0x0;
	s5 =	sld [smem:$0x3FAE]  }
0x2b: {  	s6 =	sld [smem:$0x3FAF]  }
0x2c: {  	s7 =	sld [smem:$0x3FB0]  }
0x2d: {  	s3 =	simm.s32 $0x108;
	s8 =	sld [smem:$0x3FB1]  }
0x2e: {  	s3 =	simm.s32 @!p0 $0x1082;
	s9 =	sld [smem:$0x3FB2]  }
0x2f: {  	lr =	sadd.s32 s0, s3;
	s0 =	sld [smem:$0x3FA9]  }
0x30: {  	s3 =	sld [smem:$0x3FAC]  }
0x31: {  	[smem:$0x3FB5] =	sst s10  }
0x32: {  	s10 =	sld [smem:$0x3FB3];
	_ =	sdelay $0x3  }
0x33: {  	p0 =	seq.s32 s10, $0x1;
	s10 =	sld [smem:$0x3FB5];
	_ =	sdelay $0x3  }
0x34: {  	[smem:$0x3FB5] =	sst s10  }
0x35: {  	s10 =	sld [smem:$0x3FB4];
	_ =	sdelay $0x3  }
0x36: {  	p1 =	seq.s32 s10, $0x1;
	s10 =	sld [smem:$0x3FB5];
	_ =	sdelay $0x3  }
0x37: {  	[smem:$0x3FB5] =	sst s10  }
0x38: {  	s10 =	sld [smem:$0x3FB6]  }
0x39: {  	_ = 	snop;
	(pc) =	sbr.ind lr, $3  }
0x3a: {  	_ = 	snop  }
0x3b: {  	_ = 	snop  }
0x3c: {  	p2 =	seq.s32 s10, $0x1;
	s10 =	sld [smem:$0x3FB5]  }
0x3d: {  	_ =	shalt  }
0x3e: {  	_ =	shalt  }
0x3f: {  	_ =	shalt  }
0x40: {  	_ =	shalt  }
0x41: {  	_ =	shalt  }
0x42: {  	_ =	shalt  }
0x43: {  	_ =	shalt  }
0x44: {  	_ =	shalt  }
0x45: {  	_ =	shalt  }
0x46: {  	_ =	shalt  }
0x47: {  	_ =	shalt  }
0x48: {  	_ =	shalt  }
0x49: {  	_ =	shalt  }
0x4a: {  	_ =	shalt  }
0x4b: {  	_ =	shalt  }
0x4c: {  	_ =	shalt  }
0x4d: {  	_ =	shalt  }
0x4e: {  	_ =	shalt  }
0x4f: {  	_ =	shalt  }
0x50: {  	_ =	shalt  }
0x51: {  	_ =	shalt  }
0x52: {  	_ =	shalt  }
0x53: {  	_ =	shalt  }
0x54: {  	_ =	shalt  }
0x55: {  	_ =	shalt  }
0x56: {  	_ =	shalt  }
0x57: {  	_ =	shalt  }
0x58: {  	_ =	shalt  }
0x59: {  	_ =	shalt  }
0x5a: {  	_ =	shalt  }
0x5b: {  	_ =	shalt  }
0x5c: {  	_ =	shalt  }
0x5d: {  	_ =	shalt  }
0x5e: {  	_ =	shalt  }
0x5f: {  	_ =	shalt  }
0x60: {  	_ =	shalt  }
0x61: {  	_ =	shalt  }
0x62: {  	_ =	shalt  }
0x63: {  	_ =	shalt  }
0x64: {  	_ =	shalt  }
0x65: {  	_ =	shalt  }
0x66: {  	_ =	shalt  }
0x67: {  	_ =	shalt  }
0x68: {  	_ =	shalt  }
0x69: {  	_ =	shalt  }
0x6a: {  	_ =	shalt  }
0x6b: {  	_ =	shalt  }
0x6c: {  	_ =	shalt  }
0x6d: {  	_ =	shalt  }
0x6e: {  	_ =	shalt  }
0x6f: {  	_ =	shalt  }
0x70: {  	_ =	shalt  }
0x71: {  	_ =	shalt  }
0x72: {  	_ =	shalt  }
0x73: {  	_ =	shalt  }
0x74: {  	_ =	shalt  }
0x75: {  	_ =	shalt  }
0x76: {  	_ =	shalt  }
0x77: {  	_ =	shalt  }
0x78: {  	_ =	shalt  }
0x79: {  	_ =	shalt  }
0x7a: {  	_ =	shalt  }
0x7b: {  	_ =	shalt  }
0x7c: {  	_ =	shalt  }
0x7d: {  	_ =	shalt  }
0x7e: {  	_ =	shalt  }
0x7f: {  	_ =	shalt  }
0x80: {  	_ =	shalt  }
0x81: {  	_ =	shalt  }
0x82: {  	_ =	shalt  }
0x83: {  	_ =	shalt  }
0x84: {  	_ =	shalt  }
0x85: {  	_ =	shalt  }
0x86: {  	_ =	shalt  }
0x87: {  	_ =	shalt  }
.Lfunc_end0:
.L_simem_size_0:
called_computation.1_lowered:
.L_overlay_start_0:
0x88: {  	s2 =	sld [smem:$0x3FD9]  }
0x89: {  	s3 =	sld [smem:$0x3FFE];
	_ =	sdelay $0x1  }
0x8a: {  	s1 =	srdreg.scid  }
0x8b: {  	s0 =	sand.u32 $0x1, s1  }
0x8c: {  	s17 =	sshll.u32 s0, $0xA;
	s2 =	sadd.s32 s3, s2  }
0x8d: {  	s2 =	sadd.s32 s2, s17  }
0x8e: {  	[smem:$0x3FC1] =	sst s2  }
0x8f: {  	_ = 	snop  }
0x90: {  	s2 =	sld [smem:$0x3FD0];
	(tm) =	ssettm $0x1  }
0x91: {  	s18 =	sld [smem:$0x3FFB];
	_ =	sdelay $0x3  }
0x92: {  	_ =	strace s18  }
0x93: {  	s3 =	sld [smem:$0x3FFC];
	_ =	sdelay $0x3  }
0x94: {  	_ =	strace s3  }
0x95: {  	s3 =	sld [smem:$0x3FFD];
	_ =	sdelay $0x3  }
0x96: {  	_ =	strace s3  }
0x97: {  	_ =	strace $0x8FFFFFFF  }
0x98: {  	s19 =	sld [smem:$0x3FDB];
	_ =	sdelay $0x1  }
0x99: {  	s4 =	simm.s32 $_scs_section_size  }
0x9a: {  	s5 =	simm.s32 $_size__tile_overlayer_lowered;
	s6 =	simm.s32 $_tile_overlayer_lowered  }
0x9b: {  	s22 =	simm.s32 $0x1BFF;
	s21 =	sshll.u32 s6, $0x1;
	s3 =	sadd.s32 s4, s19  }
0x9c: {  	s7 =	simm.s32 $0x0;
	s20 =	sshll.u32 s5, $0x1;
	s5 =	sadd.s32 s21, s3  }
0x9d: {  	[timem:s7], [sflag:s22] =	dma.local [hbm:s5], s20  }
0x9e: {  	_ =	swait.ge [sflag:s22], s20  }
0x9f: {  	s4 =	ssub.s32 $0x0, s20;
	[sflag:s22] =	ssyncset.done $0x0  }
0xa0: {  	[sflag:s22] =	ssyncadd.s32 s4;
	_ =	sdelay $0x1  }
0xa1: {  	s23 =	simm.s32 $0x1B8B  }
0xa2: {  	_ =	swait.ge [sflag:s23], $0x1  }
0xa3: {  	[sflag:s23] =	ssyncset.done $0x0  }
0xa4: {  	s25 =	simm.s32 $0x1B8E;
	s24 =	sld [smem:$0x3FFE];
	[sflag:s23] =	ssyncadd.s32 $0xFFFFFFFF  }
0xa5: {  	s26 =	simm.s32 $execute0_lowered;
	[smem:$0x3FD2] =	sst s25  }
0xa6: {  	s5 =	sshll.u32 s26, $0x1;
	_ =	strace $0x80000049;
	[dreg:$0x1] =	wrdreg $0xFFFFFFFF  }
0xa7: {  	s28 =	simm.s32 $_size_execute0_lowered;
	s3 =	sadd.s32 s3, s5;
	[dreg:$0x0] =	wrdreg $0x0  }
0xa8: {  	s5 =	sshll.u32 s28, $0x1;
	[dreg:$0x2] =	wrdreg s3  }
0xa9: {  	[dreg:$0x3] =	wrdreg s5  }
0xaa: {  	[dreg:$0x4] =	wrdreg $0xC0  }
0xab: {  	_ =	task [dreg:s7], $0x5FFFF  }
0xac: {  	[dreg:$0x1] =	wrdreg $0xFFFFFFFF  }
0xad: {  	[dreg:$0x0] =	wrdreg $0x60  }
0xae: {  	[dreg:$0x2] =	wrdreg s24  }
0xaf: {  	[dreg:$0x3] =	wrdreg s2  }
0xb0: {  	[dreg:$0x4] =	wrdreg $0x9  }
0xb1: {  	_ =	task.clear_ibuf [dreg:s7], $0x5FFFF;
	_ =	strace $0x90000049  }
0xb2: {  	s29 =	simm.s32 $0x9;
	_ =	strace $0x8000004B  }
0xb3: {  	_ =	swait.ge [sflag:s29], $0x1  }
0xb4: {  	[sflag:s29] =	ssyncadd.s32 $0xFFFFFFFF  }
0xb5: {  	_ =	strace $0x9000004B  }
0xb6: {  	_ =	sfence  }
0xb7: {  	s30 =	sld [smem:$0x0];
	_ =	sdelay $0x2  }
0xb8: {  	s31 =	sshll.u32 s1, $0xD;
	s1 =	sshrl.u32 s1, $0x2  }
0xb9: {  	s3 =	sand.u32 $0x4000, s31;
	s1 =	sadd.s32 s1, s30  }
0xba: {  	s0 =	sor.u32 s3, s0;
	s1 =	sshll.u32 s1, $0x11  }
0xbb: {  	s0 =	sor.u32 s1, s0  }
0xbc: {  	s0 =	sadd.s32 $0x8F2B, s0  }
0xbd: {  	[sflag:s0] =	ssyncadd.remote.s32 $0x1  }
0xbe: {  	_ =	sfence.sel $0xFFFF  }
0xbf: {  	[dreg:$0x0] =	wrdreg $0xFFFFFFFF;
	(pc) =	sbr.abs _section_cstart, $3  }
0xc0: {  	[dreg:$0x1] =	wrdreg $0xFFFFFFFF  }
0xc1: {  	_ =	task.clear_ibuf [dreg:s7], $0x2FFFF;
	_ =	strace $0x9FFFFFFF  }
0xc2: {  	(tm) =	ssettm $0x7FFFFFFF  }
0xc3: {  	_ =	shalt  }
tec
execute0_lowered:
.L_overlay_start_1:
0x0: {  	(tag) =	ssettag $0x1  }
0x1: {  	s1 =	srdreg.scid  }
0x2: {  	s0 =	stileid.u32;
	s6 =	rddreg [dreg:$0x0]  }
0x3: {  	s4 =	rddreg [dreg:$0x1];
	s18 =	simm.s32 $0x880;
	s19 =	simm.s32 $0x1080  }
0x4: {  	s20 =	simm.s32 $0x1880;
	s22 =	simm.s32 $0x2080;
	s23 =	simm.s32 $0x2880  }
0x5: {  	s7 =	simm.s32 $0x3080;
	s24 =	simm.s32 $0x3880;
	s8 =	simm.s32 $0x4080  }
0x6: {  	s25 =	simm.s32 $0x4880;
	s26 =	simm.s32 $0x5080;
	s1 =	sand.u32 $0x1, s1  }
0x7: {  	s9 =	simm.s32 $0x80;
	s2 =	sshll.u32 s0, $0x7;
	s3 =	sshll.u32 s1, $0x6  }
0x8: {  	s11 =	simm.s32 $0x6080;
	s3 =	sor.u32 s3, s2;
	s2 =	simm.s32 $0x0  }
0x9: {  	s12 =	simm.s32 $0x6880;
	s13 =	simm.s32 $0x7080;
	[smem:$0x7FF] =	sst s2  }
0xa: {  	s14 =	simm.s32 $0x7880;
	_ =	strace $0x8000004A;
	[dreg:$0x5] =	wrdreg s18  }
0xb: {  	s15 =	simm.s32 $0x8080;
	s16 =	simm.s32 $0x8880;
	[dreg:$0x6] =	wrdreg s19  }
0xc: {  	s17 =	simm.s32 $0x9080;
	s28 =	simm.s32 $0xE080;
	[dreg:$0x7] =	wrdreg s20  }
0xd: {  	s29 =	simm.s32 $0xE880;
	s30 =	simm.s32 $0xF080;
	[dreg:$0x8] =	wrdreg s22  }
0xe: {  	s31 =	simm.s32 $0xF880;
	s1 =	ssub.s32 $0x2, s1;
	[dreg:$0x9] =	wrdreg s23  }
0xf: {  	s21 =	sshrl.u32 s1, $0x1;
	s5 =	sshrl.u32 s3, $0x3;
	[dreg:$0xa] =	wrdreg s7  }
0x10: {  	s3 =	sshll.u32 s3, $0x7;
	s1 =	ssub.s32 s1, s21;
	[dreg:$0xb] =	wrdreg s24  }
0x11: {  	s21 =	simm.s32 $0xB080;
	s5 =	sadd.s32 s5, s6;
	[dreg:$0xc] =	wrdreg s8  }
0x12: {  	s3 =	sadd.s32 s4, s3;
	s4 =	sadd.s32 $0x5D500, s6;
	[dreg:$0xd] =	wrdreg s25  }
0x13: {  	s7 =	smax.u32 s1, $0x1;
	s8 =	simm.s32 $0x2;
	[dreg:$0xe] =	wrdreg s26  }
0x14: {  	s18 =	simm.s32 $0x9880;
	s19 =	simm.s32 $0xA080;
	s20 =	simm.s32 $0xA880  }
0x15: {  	s22 =	simm.s32 $0xB880;
	s23 =	simm.s32 $0xC080;
	s24 =	simm.s32 $0xC880  }
0x16: {  	v2 =	vlaneseq.u32;
	s25 =	simm.s32 $0xD080;
	s26 =	simm.s32 $0xD880;
	s1 =	simm.s32 $0x1  }
0x17: {  	vm0 =	vmmov $0xffff;
	v1 =	vshrl.u32 v2, $0x3;
	s5 =	sadd.s32 $0xC00, s5;
	[dreg:$0x4] =	wrdreg s3;
	s3 =	sadd.s32 $0x5D400, s6  }
0x18: {  	v0 =	vand.u32 $0x7, v2;
	v2 =	vor.u32 $0x8, v2;
	v1 =	vmul.u32 $0x8, v1;
	[dreg:$0x3] =	wrdreg s5;
	s5 =	sadd.s32 $0x5D600, s6;
	s6 =	sadd.s32 $0x5D700, s6  }
.LBB2_1:
0x19: {  	s0 =	rddreg [dreg:$0x3]  }
0x1a: {  	[tilespmem:s2], [sflag:$0x2] =	stream.linear.gather [hbm4b:s0+s2], $0x40, $0x38;
	[tilespmem:$0x10080] =	vst v63  }
0x1b: {  	_ =	swait.ge [sflag:s8], $0x40  }
0x1c: {  	[sflag:s8] =	ssyncset.done $0x0  }
0x1d: {  	[sflag:s8] =	ssyncadd.s32 $0xFFFFFFC0  }
0x1e: {  	v3 =	vld [tilespmem:$0x0];
	_ =	sdelay $0x4  }
0x1f: {  	v4 =	vshll.u32 v3, $0x3  }
0x20: {  	v3 =	vand.u32 $0x7, v3;
	v4 =	vand.u32 $0xFFFFFFC0, v4  }
0x21: {  	v3 =	vor.u32 v3, v4  }
0x22: {  	v4 =	vperm.xlane v3, v0;
	_ =	sdelay $0x1  }
0x23: {  	v4 =	vadd.s32 v1, v4;
	_ =	sdelay $0x4  }
0x24: {  	[tilespmem:s9], [sflag:$0x1] =	stream.indirect_vreg.gather [hbm4b:s3+s2], $0x80, v4, vm0, $0xb8;
	[tilespmem:$0x10080] =	vst v63  }
0x25: {  	s0 =	rddreg [dreg:$0x5];
	v3 =	vperm.xlane v3, v2  }
0x26: {  	[tilespmem:s0], [sflag:$0x1] =	stream.indirect_vreg.gather [hbm4b:s4+s2], $0x80, v4, vm0, $0xb8;
	[tilespmem:$0x10080] =	vst v63  }
0x27: {  	s10 =	rddreg [dreg:$0x6];
	v3 =	vadd.s32 v1, v3  }
0x28: {  	[tilespmem:s10], [sflag:$0x1] =	stream.indirect_vreg.gather [hbm4b:s5+s2], $0x80, v4, vm0, $0xb8;
	[tilespmem:$0x10080] =	vst v63  }
0x29: {  	s0 =	rddreg [dreg:$0x7]  }
0x2a: {  	[tilespmem:s0], [sflag:$0x1] =	stream.indirect_vreg.gather [hbm4b:s6+s2], $0x80, v4, vm0, $0xb8;
	[tilespmem:$0x10080] =	vst v63  }
0x2b: {  	s10 =	rddreg [dreg:$0x8]  }
0x2c: {  	[tilespmem:s10], [sflag:$0x1] =	stream.indirect_vreg.gather [hbm4b:s3+s2], $0x80, v3, vm0, $0xb8;
	[tilespmem:$0x10080] =	vst v63  }
0x2d: {  	s0 =	rddreg [dreg:$0x9]  }
0x2e: {  	[tilespmem:s0], [sflag:$0x1] =	stream.indirect_vreg.gather [hbm4b:s4+s2], $0x80, v3, vm0, $0xb8;
	[tilespmem:$0x10080] =	vst v63  }
0x2f: {  	s10 =	rddreg [dreg:$0xa]  }
0x30: {  	[tilespmem:s10], [sflag:$0x1] =	stream.indirect_vreg.gather [hbm4b:s5+s2], $0x80, v3, vm0, $0xb8;
	[tilespmem:$0x10080] =	vst v63  }
0x31: {  	s0 =	rddreg [dreg:$0xb]  }
0x32: {  	[tilespmem:s0], [sflag:$0x1] =	stream.indirect_vreg.gather [hbm4b:s6+s2], $0x80, v3, vm0, $0xb8;
	[tilespmem:$0x10080] =	vst v63  }
0x33: {  	v3 =	vld [tilespmem:$0x10];
	_ =	sdelay $0x4  }
0x34: {  	v61 =	vshll.u32 v3, $0x3  }
0x35: {  	v3 =	vand.u32 $0x7, v3;
	v4 =	vand.u32 $0xFFFFFFC0, v61  }
0x36: {  	v3 =	vor.u32 v3, v4  }
0x37: {  	v4 =	vperm.xlane v3, v0;
	_ =	sdelay $0x1  }
0x38: {  	v4 =	vadd.s32 v1, v4;
	_ =	sdelay $0x3  }
0x39: {  	s0 =	rddreg [dreg:$0xc]  }
0x3a: {  	[tilespmem:s0], [sflag:$0x1] =	stream.indirect_vreg.gather [hbm4b:s3+s2], $0x80, v4, vm0, $0xb8;
	[tilespmem:$0x10080] =	vst v63  }
0x3b: {  	s10 =	rddreg [dreg:$0xd];
	v3 =	vperm.xlane v3, v2  }
0x3c: {  	[tilespmem:s10], [sflag:$0x1] =	stream.indirect_vreg.gather [hbm4b:s4+s2], $0x80, v4, vm0, $0xb8;
	[tilespmem:$0x10080] =	vst v63  }
0x3d: {  	v3 =	vadd.s32 v1, v3;
	s0 =	rddreg [dreg:$0xe]  }
0x3e: {  	[tilespmem:s0], [sflag:$0x1] =	stream.indirect_vreg.gather [hbm4b:s5+s2], $0x80, v4, vm0, $0xb8;
	[tilespmem:$0x10080] =	vst v63  }
0x3f: {  	s10 =	simm.s32 $0x5880  }
0x40: {  	[tilespmem:s10], [sflag:$0x1] =	stream.indirect_vreg.gather [hbm4b:s6+s2], $0x80, v4, vm0, $0xb8;
	[tilespmem:$0x10080] =	vst v63  }
0x41: {  	_ = 	snop  }
0x42: {  	[tilespmem:s11], [sflag:$0x1] =	stream.indirect_vreg.gather [hbm4b:s3+s2], $0x80, v3, vm0, $0xb8;
	[tilespmem:$0x10080] =	vst v63  }
0x43: {  	_ = 	snop  }
0x44: {  	[tilespmem:s12], [sflag:$0x1] =	stream.indirect_vreg.gather [hbm4b:s4+s2], $0x80, v3, vm0, $0xb8;
	[tilespmem:$0x10080] =	vst v63  }
0x45: {  	_ = 	snop  }
0x46: {  	[tilespmem:s13], [sflag:$0x1] =	stream.indirect_vreg.gather [hbm4b:s5+s2], $0x80, v3, vm0, $0xb8;
	[tilespmem:$0x10080] =	vst v63  }
0x47: {  	_ = 	snop  }
0x48: {  	[tilespmem:s14], [sflag:$0x1] =	stream.indirect_vreg.gather [hbm4b:s6+s2], $0x80, v3, vm0, $0xb8;
	[tilespmem:$0x10080] =	vst v63  }
0x49: {  	v3 =	vld [tilespmem:$0x20];
	_ =	sdelay $0x4  }
0x4a: {  	v62 =	vshll.u32 v3, $0x3  }
0x4b: {  	v3 =	vand.u32 $0x7, v3;
	v4 =	vand.u32 $0xFFFFFFC0, v62  }
0x4c: {  	v3 =	vor.u32 v3, v4  }
0x4d: {  	v4 =	vperm.xlane v3, v0;
	_ =	sdelay $0x1  }
0x4e: {  	v4 =	vadd.s32 v1, v4;
	_ =	sdelay $0x4  }
0x4f: {  	[tilespmem:s15], [sflag:$0x1] =	stream.indirect_vreg.gather [hbm4b:s3+s2], $0x80, v4, vm0, $0xb8;
	[tilespmem:$0x10080] =	vst v63  }
0x50: {  	v3 =	vperm.xlane v3, v2  }
0x51: {  	[tilespmem:s16], [sflag:$0x1] =	stream.indirect_vreg.gather [hbm4b:s4+s2], $0x80, v4, vm0, $0xb8;
	[tilespmem:$0x10080] =	vst v63  }
0x52: {  	v3 =	vadd.s32 v1, v3  }
0x53: {  	[tilespmem:s17], [sflag:$0x1] =	stream.indirect_vreg.gather [hbm4b:s5+s2], $0x80, v4, vm0, $0xb8;
	[tilespmem:$0x10080] =	vst v63  }
0x54: {  	_ = 	snop  }
0x55: {  	[tilespmem:s18], [sflag:$0x1] =	stream.indirect_vreg.gather [hbm4b:s6+s2], $0x80, v4, vm0, $0xb8;
	[tilespmem:$0x10080] =	vst v63  }
0x56: {  	_ = 	snop  }
0x57: {  	[tilespmem:s19], [sflag:$0x1] =	stream.indirect_vreg.gather [hbm4b:s3+s2], $0x80, v3, vm0, $0xb8;
	[tilespmem:$0x10080] =	vst v63  }
0x58: {  	_ = 	snop  }
0x59: {  	[tilespmem:s20], [sflag:$0x1] =	stream.indirect_vreg.gather [hbm4b:s4+s2], $0x80, v3, vm0, $0xb8;
	[tilespmem:$0x10080] =	vst v63  }
0x5a: {  	_ = 	snop  }
0x5b: {  	[tilespmem:s21], [sflag:$0x1] =	stream.indirect_vreg.gather [hbm4b:s5+s2], $0x80, v3, vm0, $0xb8;
	[tilespmem:$0x10080] =	vst v63  }
0x5c: {  	_ = 	snop  }
0x5d: {  	[tilespmem:s22], [sflag:$0x1] =	stream.indirect_vreg.gather [hbm4b:s6+s2], $0x80, v3, vm0, $0xb8;
	[tilespmem:$0x10080] =	vst v63  }
0x5e: {  	v3 =	vld [tilespmem:$0x30];
	_ =	sdelay $0x4  }
0x5f: {  	v63 =	vshll.u32 v3, $0x3  }
0x60: {  	v3 =	vand.u32 $0x7, v3;
	v4 =	vand.u32 $0xFFFFFFC0, v63  }
0x61: {  	v3 =	vor.u32 v3, v4  }
0x62: {  	v4 =	vperm.xlane v3, v0;
	_ =	sdelay $0x1  }
0x63: {  	v4 =	vadd.s32 v1, v4;
	_ =	sdelay $0x4  }
0x64: {  	[tilespmem:s23], [sflag:$0x1] =	stream.indirect_vreg.gather [hbm4b:s3+s2], $0x80, v4, vm0, $0xb8;
	[tilespmem:$0x10080] =	vst v63  }
0x65: {  	v3 =	vperm.xlane v3, v2  }
0x66: {  	[tilespmem:s24], [sflag:$0x1] =	stream.indirect_vreg.gather [hbm4b:s4+s2], $0x80, v4, vm0, $0xb8;
	[tilespmem:$0x10080] =	vst v63  }
0x67: {  	v3 =	vadd.s32 v1, v3  }
0x68: {  	[tilespmem:s25], [sflag:$0x1] =	stream.indirect_vreg.gather [hbm4b:s5+s2], $0x80, v4, vm0, $0xb8;
	[tilespmem:$0x10080] =	vst v63  }
0x69: {  	_ = 	snop  }
0x6a: {  	[tilespmem:s26], [sflag:$0x1] =	stream.indirect_vreg.gather [hbm4b:s6+s2], $0x80, v4, vm0, $0xb8;
	[tilespmem:$0x10080] =	vst v63  }
0x6b: {  	_ = 	snop  }
0x6c: {  	[tilespmem:s28], [sflag:$0x1] =	stream.indirect_vreg.gather [hbm4b:s3+s2], $0x80, v3, vm0, $0xb8;
	[tilespmem:$0x10080] =	vst v63  }
0x6d: {  	_ = 	snop  }
0x6e: {  	[tilespmem:s29], [sflag:$0x1] =	stream.indirect_vreg.gather [hbm4b:s4+s2], $0x80, v3, vm0, $0xb8;
	[tilespmem:$0x10080] =	vst v63  }
0x6f: {  	_ = 	snop  }
0x70: {  	[tilespmem:s30], [sflag:$0x1] =	stream.indirect_vreg.gather [hbm4b:s5+s2], $0x80, v3, vm0, $0xb8;
	[tilespmem:$0x10080] =	vst v63  }
0x71: {  	_ = 	snop  }
0x72: {  	[tilespmem:s31], [sflag:$0x1] =	stream.indirect_vreg.gather [hbm4b:s6+s2], $0x80, v3, vm0, $0xb8;
	[tilespmem:$0x10080] =	vst v63  }
0x73: {  	_ =	swait.ge [sflag:s1], $0x10000  }
0x74: {  	p0 =	sne.s32 s7, $0x1;
	[sflag:s1] =	ssyncset.done $0x0  }
.Ltmp0:
0x75: {  	s10 =	rddreg [dreg:$0x4];
	[sflag:s1] =	ssyncadd.s32 $0xFFFF0000;
	(pc) =	sbr.rel @p0 .LBB2_1-.Ltmp0, $4  }
0x76: {  	[hbm4b:s10+s2] =	stream.linear.scatter [tilespmem:s9], [sflag:$0x2], $0x10000, $0x38;
	[tilespmem:$0x10080] =	vst v63  }
0x77: {  	_ =	swait.ge [sflag:s8], $0x10000  }
0x78: {  	[sflag:s8] =	ssyncset.done $0x0  }
0x79: {  	s7 =	sadd.s32 $0xFFFFFFFF, s7;
	[sflag:s8] =	ssyncadd.s32 $0xFFFF0000  }
0x7a: {  	_ =	sfence.sel $0x180000  }
0x7b: {  	[bflag:$0x0] =	sbarrier.arrive $0xFFFF  }
0x7c: {  	_ =	strace $0x9000004A  }
0x7d: {  	s0 =	stileid.u32;
	[bflag:$0x2] =	sbarrier.arrive $0xFFFF  }
0x7e: {  	p0 =	sne.s32 s0, $0x0;
	s0 =	rddreg [dreg:$0x2]  }
0x7f: {  	s0 =	sadd.s32 @!p0 $0x100000, s0  }
0x80: {  	[sflag:s0] =	ssyncadd.tile.s32 @!p0 $0x1;
	_ =	shalt  }
.Lfunc_end2:
_tile_overlayer_lowered:
.L_overlay_start_2:
0x81: {  	(tag) =	ssettag $0x2  }
0x82: {  	s0 =	rddreg [dreg:$0x0];
	s2 =	stileid.u32  }
0x83: {  	s1 =	rddreg [dreg:$0x1];
	p0 =	sne.s32 s2, $0x0  }
0x84: {  	s3 =	rddreg [dreg:$0x2];
	[bflag:$0x3] =	sbarrier.arrive $0xFFFF;
	s2 =	simm.s32 @!p0 $0x1C02  }
0x85: {  	[timem:s3], [sflag:s2] =	dma.local @!p0 [hbm:s0], s1  }
0x86: {  	s0 =	simm.s32 @!p0 $0x2  }
0x87: {  	_ =	swait.ge @!p0 [sflag:s0], s1  }
0x88: {  	s1 =	ssub.s32 @!p0 $0x0, s1;
	[sflag:s0] =	ssyncset.done @!p0 $0x0  }
0x89: {  	[sflag:s0] =	ssyncadd.s32 @!p0 s1  }
0x8a: {  	[bflag:$0x3] =	sbarrier.arrive $0xFFFF  }
0x8b: {  	_ =	shalt  }

</sc_bundles>
